<compile_context>
chip_gen: v7x
topology: tpu7x:2x2x1
jax: 0.10.2.dev20260603
libtpu: 0.0.44.dev20260713+nightly
codegen_flags: <defaults>
</compile_context>

<pallas_src>
import functools

import jax
import jax.numpy as jnp
from jax import lax
from jax.experimental import pallas as pl
from jax.experimental.pallas import tpu as pltpu
from jax.experimental.pallas import tpu_sc as plsc

N, E, D, H, O = 10000, 320000, 128, 128, 1
NC, NS = 2, 16
NW = NC * NS
EPW = E // NW
CHUNK = 80
NCH = EPW // CHUNK
IBLK = 25
NBLK = NCH // IBLK
RPT = 624
TAIL = N - NS * RPT
TAIL_OFF = NS * RPT

_mesh = functools.partial(
    plsc.VectorSubcoreMesh, core_axis_name="c", subcore_axis_name="s",
    num_cores=NC, num_subcores=NS)


def _deg_body(dstw, out, dst_v, ones_v, stripe_v, sem, deg_sh):
    c = lax.axis_index("c")
    s = lax.axis_index("s")
    wid = c * NS + s
    pltpu.sync_copy(dstw.at[wid], dst_v)
    for i in range(CHUNK // 16):
        ones_v[pl.ds(i * 16, 16)] = jnp.ones((16,), jnp.float32)
    for i in range(RPT // 16):
        stripe_v[pl.ds(i * 16, 16)] = jnp.zeros((16,), jnp.float32)
    base = pl.multiple_of(s * RPT, 8)
    pltpu.sync_copy(stripe_v, deg_sh.at[pl.ds(base, RPT)])

    @pl.when(s == NS - 1)
    def _():
        pltpu.sync_copy(stripe_v.at[pl.ds(0, TAIL)],
                        deg_sh.at[pl.ds(TAIL_OFF, TAIL)])

    plsc.subcore_barrier()

    for i in range(8):
        pltpu.async_copy(ones_v, deg_sh.at[dst_v.at[i]], sem, add=True)

    def step(g, carry):
        pltpu.make_async_copy(ones_v, deg_sh.at[dst_v.at[g]], sem).wait()
        pltpu.async_copy(ones_v, deg_sh.at[dst_v.at[g + 8]], sem, add=True)
        return carry

    lax.fori_loop(0, NCH - 8, step, 0)
    for i in range(NCH - 8, NCH):
        pltpu.make_async_copy(ones_v, deg_sh.at[dst_v.at[i]], sem).wait()
    plsc.subcore_barrier()
    pltpu.sync_copy(deg_sh.at[pl.ds(base, RPT)], stripe_v)
    pltpu.sync_copy(stripe_v, out.at[pl.ds(c * N + base, RPT)])

    @pl.when(s == NS - 1)
    def _():
        pltpu.sync_copy(deg_sh.at[pl.ds(TAIL_OFF, TAIL)],
                        stripe_v.at[pl.ds(0, TAIL)])
        pltpu.sync_copy(stripe_v.at[pl.ds(0, TAIL)],
                        out.at[pl.ds(c * N + TAIL_OFF, TAIL)])


def _sc_deg(dstw):
    return pl.kernel(
        _deg_body,
        out_type=jax.ShapeDtypeStruct((NC * N,), jnp.float32),
        mesh=_mesh(),
        scratch_types=[
            pltpu.VMEM((NCH, CHUNK), jnp.int32),
            pltpu.VMEM((CHUNK,), jnp.float32),
            pltpu.VMEM((RPT,), jnp.float32),
            pltpu.SemaphoreType.DMA,
            pltpu.VMEM_SHARED((N,), jnp.float32),
        ],
    )(dstw)


def _agg_body(hq, zeros, srcw, dstw, out, src_v, dst_v, rows_a, rows_b,
              sem_a, sem_b, sem_sa, sem_sb, acc_sh):
    c = lax.axis_index("c")
    s = lax.axis_index("s")
    wid = c * NS + s
    base = pl.multiple_of(s * RPT, 8)
    row0 = pl.ds(base, RPT)
    tail = pl.ds(TAIL_OFF, TAIL)

    @pl.when(c == 0)
    def _():
        pltpu.sync_copy(hq.at[row0], acc_sh.at[row0])

        @pl.when(s == NS - 1)
        def _():
            pltpu.sync_copy(hq.at[tail], acc_sh.at[tail])

    @pl.when(c != 0)
    def _():
        pltpu.sync_copy(zeros.at[row0], acc_sh.at[row0])

        @pl.when(s == NS - 1)
        def _():
            pltpu.sync_copy(zeros.at[tail], acc_sh.at[tail])

    plsc.subcore_barrier()

    def wait_g(buf, sem, g):
        pltpu.make_async_copy(hq.at[src_v.at[g]], buf, sem).wait()

    def wait_s(buf, sem, g):
        pltpu.make_async_copy(buf, acc_sh.at[dst_v.at[g]], sem).wait()

    def block(b, carry):
        pltpu.sync_copy(srcw.at[wid, b], src_v)
        pltpu.sync_copy(dstw.at[wid, b], dst_v)
        pltpu.async_copy(hq.at[src_v.at[0]], rows_a, sem_a)
        pltpu.async_copy(hq.at[src_v.at[1]], rows_b, sem_b)

        def pair(p, cc):
            g0 = p * 2
            wait_g(rows_a, sem_a, g0)
            pltpu.async_copy(rows_a, acc_sh.at[dst_v.at[g0]], sem_sa, add=True)
            wait_g(rows_b, sem_b, g0 + 1)
            pltpu.async_copy(rows_b, acc_sh.at[dst_v.at[g0 + 1]], sem_sb,
                             add=True)
            wait_s(rows_a, sem_sa, g0)
            pltpu.async_copy(hq.at[src_v.at[g0 + 2]], rows_a, sem_a)
            wait_s(rows_b, sem_sb, g0 + 1)
            pltpu.async_copy(hq.at[src_v.at[g0 + 3]], rows_b, sem_b)
            return cc

        lax.fori_loop(0, (IBLK - 3) // 2, pair, 0)
        wait_g(rows_a, sem_a, IBLK - 3)
        pltpu.async_copy(rows_a, acc_sh.at[dst_v.at[IBLK - 3]], sem_sa,
                         add=True)
        wait_g(rows_b, sem_b, IBLK - 2)
        pltpu.async_copy(rows_b, acc_sh.at[dst_v.at[IBLK - 2]], sem_sb,
                         add=True)
        wait_s(rows_a, sem_sa, IBLK - 3)
        pltpu.async_copy(hq.at[src_v.at[IBLK - 1]], rows_a, sem_a)
        wait_g(rows_a, sem_a, IBLK - 1)
        pltpu.async_copy(rows_a, acc_sh.at[dst_v.at[IBLK - 1]], sem_sa,
                         add=True)
        wait_s(rows_b, sem_sb, IBLK - 2)
        wait_s(rows_a, sem_sa, IBLK - 1)
        return carry

    lax.fori_loop(0, NBLK, block, 0)

    plsc.subcore_barrier()
    pltpu.sync_copy(acc_sh.at[row0], out.at[c, row0])

    @pl.when(s == NS - 1)
    def _():
        pltpu.sync_copy(acc_sh.at[tail], out.at[c, tail])


def _sc_agg(hq, zeros, srcw, dstw):
    return pl.kernel(
        _agg_body,
        out_type=jax.ShapeDtypeStruct((NC, N, D), jnp.float32),
        mesh=_mesh(),
        scratch_types=[
            pltpu.VMEM((IBLK, CHUNK), jnp.int32),
            pltpu.VMEM((IBLK, CHUNK), jnp.int32),
            pltpu.VMEM((CHUNK, D), jnp.float32),
            pltpu.VMEM((CHUNK, D), jnp.float32),
            pltpu.SemaphoreType.DMA,
            pltpu.SemaphoreType.DMA,
            pltpu.SemaphoreType.DMA,
            pltpu.SemaphoreType.DMA,
            pltpu.VMEM_SHARED((N, D), jnp.float32),
        ],
    )(hq, zeros, srcw, dstw)


BLK = 400


def _prep_kernel(x_ref, w1_ref, d0_ref, d1_ref, hq_ref, dinv_ref):
    h = jnp.dot(x_ref[...], w1_ref[...], preferred_element_type=jnp.float32)
    deg = d0_ref[...] + d1_ref[...] + 1.0
    dinv = lax.rsqrt(deg)
    hq_ref[...] = h * dinv
    dinv_ref[...] = dinv


def _tc_prep(x, W1, d0, d1):
    return pl.pallas_call(
        _prep_kernel,
        grid=(N // BLK,),
        in_specs=[
            pl.BlockSpec((BLK, D), lambda i: (i, 0)),
            pl.BlockSpec((D, H), lambda i: (0, 0)),
            pl.BlockSpec((BLK, 1), lambda i: (i, 0)),
            pl.BlockSpec((BLK, 1), lambda i: (i, 0)),
        ],
        out_specs=[
            pl.BlockSpec((BLK, H), lambda i: (i, 0)),
            pl.BlockSpec((BLK, 1), lambda i: (i, 0)),
        ],
        out_shape=[
            jax.ShapeDtypeStruct((N, H), jnp.float32),
            jax.ShapeDtypeStruct((N, 1), jnp.float32),
        ],
    )(x, W1, d0, d1)


def _finish_kernel(a0_ref, a1_ref, dinv_ref, b1_ref, w2_ref, b2_ref, out_ref):
    agg = (a0_ref[...] + a1_ref[...]) * dinv_ref[...]
    act = jnp.maximum(agg + b1_ref[...], 0.0)
    out_ref[...] = jnp.dot(act, w2_ref[...],
                           preferred_element_type=jnp.float32) + b2_ref[...]


def _tc_finish(a0, a1, dinv, b1, W2, b2):
    return pl.pallas_call(
        _finish_kernel,
        grid=(N // BLK,),
        in_specs=[
            pl.BlockSpec((BLK, H), lambda i: (i, 0)),
            pl.BlockSpec((BLK, H), lambda i: (i, 0)),
            pl.BlockSpec((BLK, 1), lambda i: (i, 0)),
            pl.BlockSpec((1, H), lambda i: (0, 0)),
            pl.BlockSpec((H, O), lambda i: (0, 0)),
            pl.BlockSpec((1, O), lambda i: (0, 0)),
        ],
        out_specs=pl.BlockSpec((BLK, O), lambda i: (i, 0)),
        out_shape=jax.ShapeDtypeStruct((N, O), jnp.float32),
    )(a0, a1, dinv, b1, W2, b2)


def kernel(x, edge_index, W1, b1, W2, b2):
    src = edge_index[0].astype(jnp.int32)
    dst = edge_index[1].astype(jnp.int32)
    srcw = src.reshape(NW, NBLK, IBLK, CHUNK)
    dstw = dst.reshape(NW, NBLK, IBLK, CHUNK)
    dstw3 = dst.reshape(NW, NCH, CHUNK)
    zeros = jnp.zeros((N, D), jnp.float32)

    degp = _sc_deg(dstw3)
    hq, dinv = _tc_prep(x, W1, degp[:N].reshape(N, 1),
                        degp[N:].reshape(N, 1))
    acc = _sc_agg(hq, zeros, srcw, dstw)
    return _tc_finish(acc[0], acc[1], dinv, b1.reshape(1, H), W2,
                      b2.reshape(1, O))

# --- scband reference (transcript-rebuilt; emitter-appended) ---
"""Pipeline reference for scband-gcnreg-15693810499840 (READ-ONLY COPY).

The authoritative reference and input builder live on the scoring server;
editing this copy changes nothing except your own understanding.
"""

import jax, jax.numpy as jnp
import numpy as np

N, E, D, H, O = 10000, 320000, 128, 128, 1

def setup_inputs(seed: int = 0) -> dict:
    key = jax.random.key(seed)
    k1, k2, k3, k4, k5, k6 = jax.random.split(key, 6)
    x = jax.random.normal(k1, (N, D), dtype=jnp.float32)
    edge_index = jax.random.randint(k2, (2, E), 0, N, dtype=jnp.int32).astype(jnp.int64)
    W1 = jax.random.normal(k3, (D, H), dtype=jnp.float32) * (1.0 / np.sqrt(D))
    b1 = jnp.zeros((H,), dtype=jnp.float32)
    W2 = jax.random.normal(k4, (H, O), dtype=jnp.float32) * (1.0 / np.sqrt(H))
    b2 = jnp.zeros((O,), dtype=jnp.float32)
    return {"x": x, "edge_index": edge_index, "W1": W1, "b1": b1, "W2": W2, "b2": b2}

def reference(x, edge_index, W1, b1, W2, b2):
    n = x.shape[0]
    src = edge_index[0].astype(jnp.int32)
    dst = edge_index[1].astype(jnp.int32)
    loop = jnp.arange(n, dtype=jnp.int32)
    src = jnp.concatenate([src, loop])
    dst = jnp.concatenate([dst, loop])
    # GCN symmetric normalization with self-loops
    deg = jnp.zeros((n,), dtype=jnp.float32).at[dst].add(1.0)
    dinv = jnp.where(deg > 0, jax.lax.rsqrt(deg), 0.0)
    norm = dinv[src] * dinv[dst]
    h = x @ W1
    msg = h[src] * norm[:, None]
    agg = jax.ops.segment_sum(msg, dst, num_segments=n)
    conv_out = agg + b1
    act = jax.nn.relu(conv_out)
    out = act @ W2 + b2
    return out

if __name__ == "__main__":
    import jax
    _d = setup_inputs()
    print(jax.jit(kernel)(*tuple(_d.values())))

</pallas_src>

<mosaic_0001>
#map = affine_map<(d0, d1) -> (0, 0)>
#map1 = affine_map<(d0, d1) -> (0, 0, 0, 0)>
#map2 = affine_map<(d0, d1) -> (0, 0, 0)>
module attributes {stable_mosaic.version = 14 : i64} {
  func.func @_agg_body(%arg0: i32, %arg1: i32, %arg2: memref<10000x128xf32, #tpu.memory_space<hbm>>, %arg3: memref<10000x128xf32, #tpu.memory_space<hbm>>, %arg4: memref<32x5x25x80xi32, #tpu.memory_space<hbm>>, %arg5: memref<32x5x25x80xi32, #tpu.memory_space<hbm>>, %arg6: memref<2x10000x128xf32, #tpu.memory_space<hbm>>, %arg7: memref<25x80xi32, #tpu.memory_space<vmem>>, %arg8: memref<25x80xi32, #tpu.memory_space<vmem>>, %arg9: memref<80x128xf32, #tpu.memory_space<vmem>>, %arg10: memref<80x128xf32, #tpu.memory_space<vmem>>, %arg11: memref<!tpu.dma_semaphore, #tpu.memory_space<semaphore_mem>>, %arg12: memref<!tpu.dma_semaphore, #tpu.memory_space<semaphore_mem>>, %arg13: memref<!tpu.dma_semaphore, #tpu.memory_space<semaphore_mem>>, %arg14: memref<!tpu.dma_semaphore, #tpu.memory_space<semaphore_mem>>, %arg15: memref<10000x128xf32, #tpu.memory_space<vmem_shared>>) attributes {dimension_semantics = [#tpu.dimension_semantics<core_parallel>, #tpu.dimension_semantics<subcore_parallel>], iteration_bounds = array<i64: 2, 16>, scalar_prefetch = 0 : i64, scratch_operands = 9 : i64, tpu.core_type = #tpu.core_type<sc_vector_subcore>, window_params = [{transform_indices = #map}, {transform_indices = #map}, {transform_indices = #map1}, {transform_indices = #map1}, {transform_indices = #map2}]} {
    %mul3A = arith.constant 16 : i32
    %mul3A_0 = arith.muli %arg0, %mul3A : i32
    %add3A = arith.addi %mul3A_0, %arg1 : i32
    %mul3A_1 = arith.constant 624 : i32
    %mul3A_2 = arith.muli %arg1, %mul3A_1 : i32
    %multiple_of3A = tpu.assume_multiple %mul3A_2, 8 : i32
    %eq3A = arith.constant 0 : i32
    %eq3A_3 = arith.cmpi eq, %arg0, %eq3A : i32
    %convert_element_type3A = arith.extui %eq3A_3 : i1 to i32
    %cond3A = arith.constant 0 : i32
    %cond3A_4 = arith.cmpi ne, %convert_element_type3A, %cond3A : i32
    scf.if %cond3A_4 {
      "tpu.region"() ({
        %run_scoped3A = tpu.sem_alloc : memref<!tpu.dma_semaphore, #tpu.memory_space<semaphore_mem>>
        %dma_start3A = arith.constant 0 : i32
        %dma_start3A_25 = tpu.memref_slice %arg15[%multiple_of3A, %dma_start3A] : memref<10000x128xf32, #tpu.memory_space<vmem_shared>> -> memref<624x128xf32, #tpu.memory_space<vmem_shared>>
        %dma_start3A_26 = arith.constant 0 : i32
        %dma_start3A_27 = tpu.memref_slice %arg2[%multiple_of3A, %dma_start3A_26] : memref<10000x128xf32, #tpu.memory_space<hbm>> -> memref<624x128xf32, #tpu.memory_space<hbm>>
        tpu.enqueue_dma source(%dma_start3A_27 : memref<624x128xf32, #tpu.memory_space<hbm>>) target(%dma_start3A_25 : memref<624x128xf32, #tpu.memory_space<vmem_shared>>) target_semaphore(%run_scoped3A : memref<!tpu.dma_semaphore, #tpu.memory_space<semaphore_mem>>)
        %dma_wait3A = arith.constant 0 : i32
        %dma_wait3A_28 = tpu.memref_slice %arg15[%multiple_of3A, %dma_wait3A] : memref<10000x128xf32, #tpu.memory_space<vmem_shared>> -> memref<624x128xf32, #tpu.memory_space<vmem_shared>>
        %dma_wait3A_29 = arith.constant 0 : i32
        %dma_wait3A_30 = tpu.memref_slice %arg2[%multiple_of3A, %dma_wait3A_29] : memref<10000x128xf32, #tpu.memory_space<hbm>> -> memref<624x128xf32, #tpu.memory_space<hbm>>
        tpu.wait_dma2 semaphore(%run_scoped3A : memref<!tpu.dma_semaphore, #tpu.memory_space<semaphore_mem>>) src(%dma_wait3A_30 : memref<624x128xf32, #tpu.memory_space<hbm>>) dst(%dma_wait3A_28 : memref<624x128xf32, #tpu.memory_space<vmem_shared>>)
        tpu.yield
      }) : () -> ()
      %eq3A_20 = arith.constant 15 : i32
      %eq3A_21 = arith.cmpi eq, %arg1, %eq3A_20 : i32
      %convert_element_type3A_22 = arith.extui %eq3A_21 : i1 to i32
      %cond3A_23 = arith.constant 0 : i32
      %cond3A_24 = arith.cmpi ne, %convert_element_type3A_22, %cond3A_23 : i32
      scf.if %cond3A_24 {
        "tpu.region"() ({
          %run_scoped3A = tpu.sem_alloc : memref<!tpu.dma_semaphore, #tpu.memory_space<semaphore_mem>>
          %dma_start3A = arith.constant 9984 : i32
          %dma_start3A_25 = arith.constant 0 : i32
          %dma_start3A_26 = tpu.memref_slice %arg15[%dma_start3A, %dma_start3A_25] : memref<10000x128xf32, #tpu.memory_space<vmem_shared>> -> memref<16x128xf32, #tpu.memory_space<vmem_shared>>
          %dma_start3A_27 = arith.constant 9984 : i32
          %dma_start3A_28 = arith.constant 0 : i32
          %dma_start3A_29 = tpu.memref_slice %arg2[%dma_start3A_27, %dma_start3A_28] : memref<10000x128xf32, #tpu.memory_space<hbm>> -> memref<16x128xf32, #tpu.memory_space<hbm>>
          tpu.enqueue_dma source(%dma_start3A_29 : memref<16x128xf32, #tpu.memory_space<hbm>>) target(%dma_start3A_26 : memref<16x128xf32, #tpu.memory_space<vmem_shared>>) target_semaphore(%run_scoped3A : memref<!tpu.dma_semaphore, #tpu.memory_space<semaphore_mem>>)
          %dma_wait3A = arith.constant 9984 : i32
          %dma_wait3A_30 = arith.constant 0 : i32
          %dma_wait3A_31 = tpu.memref_slice %arg15[%dma_wait3A, %dma_wait3A_30] : memref<10000x128xf32, #tpu.memory_space<vmem_shared>> -> memref<16x128xf32, #tpu.memory_space<vmem_shared>>
          %dma_wait3A_32 = arith.constant 9984 : i32
          %dma_wait3A_33 = arith.constant 0 : i32
          %dma_wait3A_34 = tpu.memref_slice %arg2[%dma_wait3A_32, %dma_wait3A_33] : memref<10000x128xf32, #tpu.memory_space<hbm>> -> memref<16x128xf32, #tpu.memory_space<hbm>>
          tpu.wait_dma2 semaphore(%run_scoped3A : memref<!tpu.dma_semaphore, #tpu.memory_space<semaphore_mem>>) src(%dma_wait3A_34 : memref<16x128xf32, #tpu.memory_space<hbm>>) dst(%dma_wait3A_31 : memref<16x128xf32, #tpu.memory_space<vmem_shared>>)
          tpu.yield
        }) : () -> ()
      } else {
      }
    } else {
    }
    %ne3A = arith.constant 0 : i32
    %ne3A_5 = arith.cmpi ne, %arg0, %ne3A : i32
    %convert_element_type3A_6 = arith.extui %ne3A_5 : i1 to i32
    %cond3A_7 = arith.constant 0 : i32
    %cond3A_8 = arith.cmpi ne, %convert_element_type3A_6, %cond3A_7 : i32
    scf.if %cond3A_8 {
      "tpu.region"() ({
        %run_scoped3A = tpu.sem_alloc : memref<!tpu.dma_semaphore, #tpu.memory_space<semaphore_mem>>
        %dma_start3A = arith.constant 0 : i32
        %dma_start3A_25 = tpu.memref_slice %arg15[%multiple_of3A, %dma_start3A] : memref<10000x128xf32, #tpu.memory_space<vmem_shared>> -> memref<624x128xf32, #tpu.memory_space<vmem_shared>>
        %dma_start3A_26 = arith.constant 0 : i32
        %dma_start3A_27 = tpu.memref_slice %arg3[%multiple_of3A, %dma_start3A_26] : memref<10000x128xf32, #tpu.memory_space<hbm>> -> memref<624x128xf32, #tpu.memory_space<hbm>>
        tpu.enqueue_dma source(%dma_start3A_27 : memref<624x128xf32, #tpu.memory_space<hbm>>) target(%dma_start3A_25 : memref<624x128xf32, #tpu.memory_space<vmem_shared>>) target_semaphore(%run_scoped3A : memref<!tpu.dma_semaphore, #tpu.memory_space<semaphore_mem>>)
        %dma_wait3A = arith.constant 0 : i32
        %dma_wait3A_28 = tpu.memref_slice %arg15[%multiple_of3A, %dma_wait3A] : memref<10000x128xf32, #tpu.memory_space<vmem_shared>> -> memref<624x128xf32, #tpu.memory_space<vmem_shared>>
        %dma_wait3A_29 = arith.constant 0 : i32
        %dma_wait3A_30 = tpu.memref_slice %arg3[%multiple_of3A, %dma_wait3A_29] : memref<10000x128xf32, #tpu.memory_space<hbm>> -> memref<624x128xf32, #tpu.memory_space<hbm>>
        tpu.wait_dma2 semaphore(%run_scoped3A : memref<!tpu.dma_semaphore, #tpu.memory_space<semaphore_mem>>) src(%dma_wait3A_30 : memref<624x128xf32, #tpu.memory_space<hbm>>) dst(%dma_wait3A_28 : memref<624x128xf32, #tpu.memory_space<vmem_shared>>)
        tpu.yield
      }) : () -> ()
      %eq3A_20 = arith.constant 15 : i32
      %eq3A_21 = arith.cmpi eq, %arg1, %eq3A_20 : i32
      %convert_element_type3A_22 = arith.extui %eq3A_21 : i1 to i32
      %cond3A_23 = arith.constant 0 : i32
      %cond3A_24 = arith.cmpi ne, %convert_element_type3A_22, %cond3A_23 : i32
      scf.if %cond3A_24 {
        "tpu.region"() ({
          %run_scoped3A = tpu.sem_alloc : memref<!tpu.dma_semaphore, #tpu.memory_space<semaphore_mem>>
          %dma_start3A = arith.constant 9984 : i32
          %dma_start3A_25 = arith.constant 0 : i32
          %dma_start3A_26 = tpu.memref_slice %arg15[%dma_start3A, %dma_start3A_25] : memref<10000x128xf32, #tpu.memory_space<vmem_shared>> -> memref<16x128xf32, #tpu.memory_space<vmem_shared>>
          %dma_start3A_27 = arith.constant 9984 : i32
          %dma_start3A_28 = arith.constant 0 : i32
          %dma_start3A_29 = tpu.memref_slice %arg3[%dma_start3A_27, %dma_start3A_28] : memref<10000x128xf32, #tpu.memory_space<hbm>> -> memref<16x128xf32, #tpu.memory_space<hbm>>
          tpu.enqueue_dma source(%dma_start3A_29 : memref<16x128xf32, #tpu.memory_space<hbm>>) target(%dma_start3A_26 : memref<16x128xf32, #tpu.memory_space<vmem_shared>>) target_semaphore(%run_scoped3A : memref<!tpu.dma_semaphore, #tpu.memory_space<semaphore_mem>>)
          %dma_wait3A = arith.constant 9984 : i32
          %dma_wait3A_30 = arith.constant 0 : i32
          %dma_wait3A_31 = tpu.memref_slice %arg15[%dma_wait3A, %dma_wait3A_30] : memref<10000x128xf32, #tpu.memory_space<vmem_shared>> -> memref<16x128xf32, #tpu.memory_space<vmem_shared>>
          %dma_wait3A_32 = arith.constant 9984 : i32
          %dma_wait3A_33 = arith.constant 0 : i32
          %dma_wait3A_34 = tpu.memref_slice %arg3[%dma_wait3A_32, %dma_wait3A_33] : memref<10000x128xf32, #tpu.memory_space<hbm>> -> memref<16x128xf32, #tpu.memory_space<hbm>>
          tpu.wait_dma2 semaphore(%run_scoped3A : memref<!tpu.dma_semaphore, #tpu.memory_space<semaphore_mem>>) src(%dma_wait3A_34 : memref<16x128xf32, #tpu.memory_space<hbm>>) dst(%dma_wait3A_31 : memref<16x128xf32, #tpu.memory_space<vmem_shared>>)
          tpu.yield
        }) : () -> ()
      } else {
      }
    } else {
    }
    %barrier3A = arith.constant 0 : index
    tpu.barrier barrier_id(%barrier3A)
    %scan3A = arith.constant 0 : i32
    %scan3A_9 = arith.constant 0 : i32
    %scan3A_10 = arith.constant 5 : i32
    %scan3A_11 = arith.addi %scan3A_9, %scan3A_10 : i32
    %scan3A_12 = arith.constant 1 : i32
    scf.for %scan3A_20 = %scan3A_9 to %scan3A_11 step %scan3A_12  : i32 {
      "tpu.region"() ({
        %run_scoped3A = tpu.sem_alloc : memref<!tpu.dma_semaphore, #tpu.memory_space<semaphore_mem>>
        %dma_start3A_109 = arith.constant 0 : i32
        %dma_start3A_110 = arith.constant 0 : i32
        %dma_start3A_111 = tpu.memref_slice %arg4[%add3A, %scan3A_20, %dma_start3A_109, %dma_start3A_110] : memref<32x5x25x80xi32, #tpu.memory_space<hbm>> -> memref<1x1x25x80xi32, #tpu.memory_space<hbm>>
        %dma_start3A_112 = tpu.memref_squeeze %dma_start3A_111 : memref<1x1x25x80xi32, #tpu.memory_space<hbm>> -> memref<25x80xi32, #tpu.memory_space<hbm>>
        %dma_start3A_113 = arith.constant 0 : i32
        %dma_start3A_114 = arith.constant 0 : i32
        %dma_start3A_115 = tpu.memref_slice %arg4[%add3A, %scan3A_20, %dma_start3A_113, %dma_start3A_114] : memref<32x5x25x80xi32, #tpu.memory_space<hbm>> -> memref<1x1x25x80xi32, #tpu.memory_space<hbm>>
        %dma_start3A_116 = tpu.memref_squeeze %dma_start3A_115 : memref<1x1x25x80xi32, #tpu.memory_space<hbm>> -> memref<25x80xi32, #tpu.memory_space<hbm>>
        tpu.enqueue_dma source(%dma_start3A_116 : memref<25x80xi32, #tpu.memory_space<hbm>>) target(%arg7 : memref<25x80xi32, #tpu.memory_space<vmem>>) target_semaphore(%run_scoped3A : memref<!tpu.dma_semaphore, #tpu.memory_space<semaphore_mem>>)
        %dma_wait3A_117 = arith.constant 0 : i32
        %dma_wait3A_118 = arith.constant 0 : i32
        %dma_wait3A_119 = tpu.memref_slice %arg4[%add3A, %scan3A_20, %dma_wait3A_117, %dma_wait3A_118] : memref<32x5x25x80xi32, #tpu.memory_space<hbm>> -> memref<1x1x25x80xi32, #tpu.memory_space<hbm>>
        %dma_wait3A_120 = tpu.memref_squeeze %dma_wait3A_119 : memref<1x1x25x80xi32, #tpu.memory_space<hbm>> -> memref<25x80xi32, #tpu.memory_space<hbm>>
        %dma_wait3A_121 = arith.constant 0 : i32
        %dma_wait3A_122 = arith.constant 0 : i32
        %dma_wait3A_123 = tpu.memref_slice %arg4[%add3A, %scan3A_20, %dma_wait3A_121, %dma_wait3A_122] : memref<32x5x25x80xi32, #tpu.memory_space<hbm>> -> memref<1x1x25x80xi32, #tpu.memory_space<hbm>>
        %dma_wait3A_124 = tpu.memref_squeeze %dma_wait3A_123 : memref<1x1x25x80xi32, #tpu.memory_space<hbm>> -> memref<25x80xi32, #tpu.memory_space<hbm>>
        tpu.wait_dma2 semaphore(%run_scoped3A : memref<!tpu.dma_semaphore, #tpu.memory_space<semaphore_mem>>) src(%dma_wait3A_124 : memref<25x80xi32, #tpu.memory_space<hbm>>) dst(%arg7 : memref<25x80xi32, #tpu.memory_space<vmem>>)
        tpu.yield
      }) : () -> ()
      "tpu.region"() ({
        %run_scoped3A = tpu.sem_alloc : memref<!tpu.dma_semaphore, #tpu.memory_space<semaphore_mem>>
        %dma_start3A_109 = arith.constant 0 : i32
        %dma_start3A_110 = arith.constant 0 : i32
        %dma_start3A_111 = tpu.memref_slice %arg5[%add3A, %scan3A_20, %dma_start3A_109, %dma_start3A_110] : memref<32x5x25x80xi32, #tpu.memory_space<hbm>> -> memref<1x1x25x80xi32, #tpu.memory_space<hbm>>
        %dma_start3A_112 = tpu.memref_squeeze %dma_start3A_111 : memref<1x1x25x80xi32, #tpu.memory_space<hbm>> -> memref<25x80xi32, #tpu.memory_space<hbm>>
        %dma_start3A_113 = arith.constant 0 : i32
        %dma_start3A_114 = arith.constant 0 : i32
        %dma_start3A_115 = tpu.memref_slice %arg5[%add3A, %scan3A_20, %dma_start3A_113, %dma_start3A_114] : memref<32x5x25x80xi32, #tpu.memory_space<hbm>> -> memref<1x1x25x80xi32, #tpu.memory_space<hbm>>
        %dma_start3A_116 = tpu.memref_squeeze %dma_start3A_115 : memref<1x1x25x80xi32, #tpu.memory_space<hbm>> -> memref<25x80xi32, #tpu.memory_space<hbm>>
        tpu.enqueue_dma source(%dma_start3A_116 : memref<25x80xi32, #tpu.memory_space<hbm>>) target(%arg8 : memref<25x80xi32, #tpu.memory_space<vmem>>) target_semaphore(%run_scoped3A : memref<!tpu.dma_semaphore, #tpu.memory_space<semaphore_mem>>)
        %dma_wait3A_117 = arith.constant 0 : i32
        %dma_wait3A_118 = arith.constant 0 : i32
        %dma_wait3A_119 = tpu.memref_slice %arg5[%add3A, %scan3A_20, %dma_wait3A_117, %dma_wait3A_118] : memref<32x5x25x80xi32, #tpu.memory_space<hbm>> -> memref<1x1x25x80xi32, #tpu.memory_space<hbm>>
        %dma_wait3A_120 = tpu.memref_squeeze %dma_wait3A_119 : memref<1x1x25x80xi32, #tpu.memory_space<hbm>> -> memref<25x80xi32, #tpu.memory_space<hbm>>
        %dma_wait3A_121 = arith.constant 0 : i32
        %dma_wait3A_122 = arith.constant 0 : i32
        %dma_wait3A_123 = tpu.memref_slice %arg5[%add3A, %scan3A_20, %dma_wait3A_121, %dma_wait3A_122] : memref<32x5x25x80xi32, #tpu.memory_space<hbm>> -> memref<1x1x25x80xi32, #tpu.memory_space<hbm>>
        %dma_wait3A_124 = tpu.memref_squeeze %dma_wait3A_123 : memref<1x1x25x80xi32, #tpu.memory_space<hbm>> -> memref<25x80xi32, #tpu.memory_space<hbm>>
        tpu.wait_dma2 semaphore(%run_scoped3A : memref<!tpu.dma_semaphore, #tpu.memory_space<semaphore_mem>>) src(%dma_wait3A_124 : memref<25x80xi32, #tpu.memory_space<hbm>>) dst(%arg8 : memref<25x80xi32, #tpu.memory_space<vmem>>)
        tpu.yield
      }) : () -> ()
      %dma_start3A = arith.constant 0 : i32
      %dma_start3A_21 = arith.constant 0 : i32
      %dma_start3A_22 = tpu.memref_slice %arg7[%dma_start3A, %dma_start3A_21] : memref<25x80xi32, #tpu.memory_space<vmem>> -> memref<1x80xi32, #tpu.memory_space<vmem>>
      %dma_start3A_23 = tpu.memref_squeeze %dma_start3A_22 : memref<1x80xi32, #tpu.memory_space<vmem>> -> memref<80xi32, #tpu.memory_space<vmem>>
      %dma_start3A_24 = arith.constant 0 : i32
      %dma_start3A_25 = arith.constant 0 : i32
      %dma_start3A_26 = tpu.memref_slice %arg2[%dma_start3A_24, %dma_start3A_25] : memref<10000x128xf32, #tpu.memory_space<hbm>> -> memref<10000x128xf32, #tpu.memory_space<hbm>>
      tpu.enqueue_indirect_dma source(%dma_start3A_26 : memref<10000x128xf32, #tpu.memory_space<hbm>>) target(%arg9 : memref<80x128xf32, #tpu.memory_space<vmem>>) offsets(%dma_start3A_23 : memref<80xi32, #tpu.memory_space<vmem>>) semaphore(%arg11 : memref<!tpu.dma_semaphore, #tpu.memory_space<semaphore_mem>>)
      %dma_start3A_27 = arith.constant 1 : i32
      %dma_start3A_28 = arith.constant 0 : i32
      %dma_start3A_29 = tpu.memref_slice %arg7[%dma_start3A_27, %dma_start3A_28] : memref<25x80xi32, #tpu.memory_space<vmem>> -> memref<1x80xi32, #tpu.memory_space<vmem>>
      %dma_start3A_30 = tpu.memref_squeeze %dma_start3A_29 : memref<1x80xi32, #tpu.memory_space<vmem>> -> memref<80xi32, #tpu.memory_space<vmem>>
      %dma_start3A_31 = arith.constant 0 : i32
      %dma_start3A_32 = arith.constant 0 : i32
      %dma_start3A_33 = tpu.memref_slice %arg2[%dma_start3A_31, %dma_start3A_32] : memref<10000x128xf32, #tpu.memory_space<hbm>> -> memref<10000x128xf32, #tpu.memory_space<hbm>>
      tpu.enqueue_indirect_dma source(%dma_start3A_33 : memref<10000x128xf32, #tpu.memory_space<hbm>>) target(%arg10 : memref<80x128xf32, #tpu.memory_space<vmem>>) offsets(%dma_start3A_30 : memref<80xi32, #tpu.memory_space<vmem>>) semaphore(%arg12 : memref<!tpu.dma_semaphore, #tpu.memory_space<semaphore_mem>>)
      %scan3A_34 = arith.constant 0 : i32
      %scan3A_35 = arith.constant 0 : i32
      %scan3A_36 = arith.constant 11 : i32
      %scan3A_37 = arith.addi %scan3A_35, %scan3A_36 : i32
      %scan3A_38 = arith.constant 1 : i32
      scf.for %scan3A_109 = %scan3A_35 to %scan3A_37 step %scan3A_38  : i32 {
        %mul3A_110 = arith.constant 2 : i32
        %mul3A_111 = arith.muli %scan3A_109, %mul3A_110 : i32
        %dma_wait3A_112 = arith.constant 0 : i32
        %dma_wait3A_113 = tpu.memref_slice %arg7[%mul3A_111, %dma_wait3A_112] : memref<25x80xi32, #tpu.memory_space<vmem>> -> memref<1x80xi32, #tpu.memory_space<vmem>>
        %dma_wait3A_114 = tpu.memref_squeeze %dma_wait3A_113 : memref<1x80xi32, #tpu.memory_space<vmem>> -> memref<80xi32, #tpu.memory_space<vmem>>
        %dma_wait3A_115 = arith.constant 0 : i32
        %dma_wait3A_116 = arith.constant 0 : i32
        %dma_wait3A_117 = tpu.memref_slice %arg2[%dma_wait3A_115, %dma_wait3A_116] : memref<10000x128xf32, #tpu.memory_space<hbm>> -> memref<10000x128xf32, #tpu.memory_space<hbm>>
        tpu.wait_indirect_dma semaphore(%arg11 : memref<!tpu.dma_semaphore, #tpu.memory_space<semaphore_mem>>) src(%dma_wait3A_117 : memref<10000x128xf32, #tpu.memory_space<hbm>>) dst(%arg9 : memref<80x128xf32, #tpu.memory_space<vmem>>)
        %dma_start3A_118 = arith.constant 0 : i32
        %dma_start3A_119 = tpu.memref_slice %arg8[%mul3A_111, %dma_start3A_118] : memref<25x80xi32, #tpu.memory_space<vmem>> -> memref<1x80xi32, #tpu.memory_space<vmem>>
        %dma_start3A_120 = tpu.memref_squeeze %dma_start3A_119 : memref<1x80xi32, #tpu.memory_space<vmem>> -> memref<80xi32, #tpu.memory_space<vmem>>
        %dma_start3A_121 = arith.constant 0 : i32
        %dma_start3A_122 = arith.constant 0 : i32
        %dma_start3A_123 = tpu.memref_slice %arg15[%dma_start3A_121, %dma_start3A_122] : memref<10000x128xf32, #tpu.memory_space<vmem_shared>> -> memref<10000x128xf32, #tpu.memory_space<vmem_shared>>
        tpu.enqueue_indirect_dma source(%arg9 : memref<80x128xf32, #tpu.memory_space<vmem>>) target(%dma_start3A_123 : memref<10000x128xf32, #tpu.memory_space<vmem_shared>>) offsets(%dma_start3A_120 : memref<80xi32, #tpu.memory_space<vmem>>) semaphore(%arg13 : memref<!tpu.dma_semaphore, #tpu.memory_space<semaphore_mem>>) {add = true}
        %add3A_124 = arith.constant 1 : i32
        %add3A_125 = arith.addi %mul3A_111, %add3A_124 : i32
        %dma_wait3A_126 = arith.constant 0 : i32
        %dma_wait3A_127 = tpu.memref_slice %arg7[%add3A_125, %dma_wait3A_126] : memref<25x80xi32, #tpu.memory_space<vmem>> -> memref<1x80xi32, #tpu.memory_space<vmem>>
        %dma_wait3A_128 = tpu.memref_squeeze %dma_wait3A_127 : memref<1x80xi32, #tpu.memory_space<vmem>> -> memref<80xi32, #tpu.memory_space<vmem>>
        %dma_wait3A_129 = arith.constant 0 : i32
        %dma_wait3A_130 = arith.constant 0 : i32
        %dma_wait3A_131 = tpu.memref_slice %arg2[%dma_wait3A_129, %dma_wait3A_130] : memref<10000x128xf32, #tpu.memory_space<hbm>> -> memref<10000x128xf32, #tpu.memory_space<hbm>>
        tpu.wait_indirect_dma semaphore(%arg12 : memref<!tpu.dma_semaphore, #tpu.memory_space<semaphore_mem>>) src(%dma_wait3A_131 : memref<10000x128xf32, #tpu.memory_space<hbm>>) dst(%arg10 : memref<80x128xf32, #tpu.memory_space<vmem>>)
        %add3A_132 = arith.constant 1 : i32
        %add3A_133 = arith.addi %mul3A_111, %add3A_132 : i32
        %dma_start3A_134 = arith.constant 0 : i32
        %dma_start3A_135 = tpu.memref_slice %arg8[%add3A_133, %dma_start3A_134] : memref<25x80xi32, #tpu.memory_space<vmem>> -> memref<1x80xi32, #tpu.memory_space<vmem>>
        %dma_start3A_136 = tpu.memref_squeeze %dma_start3A_135 : memref<1x80xi32, #tpu.memory_space<vmem>> -> memref<80xi32, #tpu.memory_space<vmem>>
        %dma_start3A_137 = arith.constant 0 : i32
        %dma_start3A_138 = arith.constant 0 : i32
        %dma_start3A_139 = tpu.memref_slice %arg15[%dma_start3A_137, %dma_start3A_138] : memref<10000x128xf32, #tpu.memory_space<vmem_shared>> -> memref<10000x128xf32, #tpu.memory_space<vmem_shared>>
        tpu.enqueue_indirect_dma source(%arg10 : memref<80x128xf32, #tpu.memory_space<vmem>>) target(%dma_start3A_139 : memref<10000x128xf32, #tpu.memory_space<vmem_shared>>) offsets(%dma_start3A_136 : memref<80xi32, #tpu.memory_space<vmem>>) semaphore(%arg14 : memref<!tpu.dma_semaphore, #tpu.memory_space<semaphore_mem>>) {add = true}
        %dma_wait3A_140 = arith.constant 0 : i32
        %dma_wait3A_141 = tpu.memref_slice %arg8[%mul3A_111, %dma_wait3A_140] : memref<25x80xi32, #tpu.memory_space<vmem>> -> memref<1x80xi32, #tpu.memory_space<vmem>>
        %dma_wait3A_142 = tpu.memref_squeeze %dma_wait3A_141 : memref<1x80xi32, #tpu.memory_space<vmem>> -> memref<80xi32, #tpu.memory_space<vmem>>
        %dma_wait3A_143 = arith.constant 0 : i32
        %dma_wait3A_144 = arith.constant 0 : i32
        %dma_wait3A_145 = tpu.memref_slice %arg15[%dma_wait3A_143, %dma_wait3A_144] : memref<10000x128xf32, #tpu.memory_space<vmem_shared>> -> memref<10000x128xf32, #tpu.memory_space<vmem_shared>>
        tpu.wait_indirect_dma semaphore(%arg13 : memref<!tpu.dma_semaphore, #tpu.memory_space<semaphore_mem>>) src(%arg9 : memref<80x128xf32, #tpu.memory_space<vmem>>) dst(%dma_wait3A_145 : memref<10000x128xf32, #tpu.memory_space<vmem_shared>>)
        %add3A_146 = arith.constant 2 : i32
        %add3A_147 = arith.addi %mul3A_111, %add3A_146 : i32
        %dma_start3A_148 = arith.constant 0 : i32
        %dma_start3A_149 = tpu.memref_slice %arg7[%add3A_147, %dma_start3A_148] : memref<25x80xi32, #tpu.memory_space<vmem>> -> memref<1x80xi32, #tpu.memory_space<vmem>>
        %dma_start3A_150 = tpu.memref_squeeze %dma_start3A_149 : memref<1x80xi32, #tpu.memory_space<vmem>> -> memref<80xi32, #tpu.memory_space<vmem>>
        %dma_start3A_151 = arith.constant 0 : i32
        %dma_start3A_152 = arith.constant 0 : i32
        %dma_start3A_153 = tpu.memref_slice %arg2[%dma_start3A_151, %dma_start3A_152] : memref<10000x128xf32, #tpu.memory_space<hbm>> -> memref<10000x128xf32, #tpu.memory_space<hbm>>
        tpu.enqueue_indirect_dma source(%dma_start3A_153 : memref<10000x128xf32, #tpu.memory_space<hbm>>) target(%arg9 : memref<80x128xf32, #tpu.memory_space<vmem>>) offsets(%dma_start3A_150 : memref<80xi32, #tpu.memory_space<vmem>>) semaphore(%arg11 : memref<!tpu.dma_semaphore, #tpu.memory_space<semaphore_mem>>)
        %add3A_154 = arith.constant 1 : i32
        %add3A_155 = arith.addi %mul3A_111, %add3A_154 : i32
        %dma_wait3A_156 = arith.constant 0 : i32
        %dma_wait3A_157 = tpu.memref_slice %arg8[%add3A_155, %dma_wait3A_156] : memref<25x80xi32, #tpu.memory_space<vmem>> -> memref<1x80xi32, #tpu.memory_space<vmem>>
        %dma_wait3A_158 = tpu.memref_squeeze %dma_wait3A_157 : memref<1x80xi32, #tpu.memory_space<vmem>> -> memref<80xi32, #tpu.memory_space<vmem>>
        %dma_wait3A_159 = arith.constant 0 : i32
        %dma_wait3A_160 = arith.constant 0 : i32
        %dma_wait3A_161 = tpu.memref_slice %arg15[%dma_wait3A_159, %dma_wait3A_160] : memref<10000x128xf32, #tpu.memory_space<vmem_shared>> -> memref<10000x128xf32, #tpu.memory_space<vmem_shared>>
        tpu.wait_indirect_dma semaphore(%arg14 : memref<!tpu.dma_semaphore, #tpu.memory_space<semaphore_mem>>) src(%arg10 : memref<80x128xf32, #tpu.memory_space<vmem>>) dst(%dma_wait3A_161 : memref<10000x128xf32, #tpu.memory_space<vmem_shared>>)
        %add3A_162 = arith.constant 3 : i32
        %add3A_163 = arith.addi %mul3A_111, %add3A_162 : i32
        %dma_start3A_164 = arith.constant 0 : i32
        %dma_start3A_165 = tpu.memref_slice %arg7[%add3A_163, %dma_start3A_164] : memref<25x80xi32, #tpu.memory_space<vmem>> -> memref<1x80xi32, #tpu.memory_space<vmem>>
        %dma_start3A_166 = tpu.memref_squeeze %dma_start3A_165 : memref<1x80xi32, #tpu.memory_space<vmem>> -> memref<80xi32, #tpu.memory_space<vmem>>
        %dma_start3A_167 = arith.constant 0 : i32
        %dma_start3A_168 = arith.constant 0 : i32
        %dma_start3A_169 = tpu.memref_slice %arg2[%dma_start3A_167, %dma_start3A_168] : memref<10000x128xf32, #tpu.memory_space<hbm>> -> memref<10000x128xf32, #tpu.memory_space<hbm>>
        tpu.enqueue_indirect_dma source(%dma_start3A_169 : memref<10000x128xf32, #tpu.memory_space<hbm>>) target(%arg10 : memref<80x128xf32, #tpu.memory_space<vmem>>) offsets(%dma_start3A_166 : memref<80xi32, #tpu.memory_space<vmem>>) semaphore(%arg12 : memref<!tpu.dma_semaphore, #tpu.memory_space<semaphore_mem>>)
      }
      %scan3A_39 = arith.constant 11 : i32
      %dma_wait3A = arith.constant 22 : i32
      %dma_wait3A_40 = arith.constant 0 : i32
      %dma_wait3A_41 = tpu.memref_slice %arg7[%dma_wait3A, %dma_wait3A_40] : memref<25x80xi32, #tpu.memory_space<vmem>> -> memref<1x80xi32, #tpu.memory_space<vmem>>
      %dma_wait3A_42 = tpu.memref_squeeze %dma_wait3A_41 : memref<1x80xi32, #tpu.memory_space<vmem>> -> memref<80xi32, #tpu.memory_space<vmem>>
      %dma_wait3A_43 = arith.constant 0 : i32
      %dma_wait3A_44 = arith.constant 0 : i32
      %dma_wait3A_45 = tpu.memref_slice %arg2[%dma_wait3A_43, %dma_wait3A_44] : memref<10000x128xf32, #tpu.memory_space<hbm>> -> memref<10000x128xf32, #tpu.memory_space<hbm>>
      tpu.wait_indirect_dma semaphore(%arg11 : memref<!tpu.dma_semaphore, #tpu.memory_space<semaphore_mem>>) src(%dma_wait3A_45 : memref<10000x128xf32, #tpu.memory_space<hbm>>) dst(%arg9 : memref<80x128xf32, #tpu.memory_space<vmem>>)
      %dma_start3A_46 = arith.constant 22 : i32
      %dma_start3A_47 = arith.constant 0 : i32
      %dma_start3A_48 = tpu.memref_slice %arg8[%dma_start3A_46, %dma_start3A_47] : memref<25x80xi32, #tpu.memory_space<vmem>> -> memref<1x80xi32, #tpu.memory_space<vmem>>
      %dma_start3A_49 = tpu.memref_squeeze %dma_start3A_48 : memref<1x80xi32, #tpu.memory_space<vmem>> -> memref<80xi32, #tpu.memory_space<vmem>>
      %dma_start3A_50 = arith.constant 0 : i32
      %dma_start3A_51 = arith.constant 0 : i32
      %dma_start3A_52 = tpu.memref_slice %arg15[%dma_start3A_50, %dma_start3A_51] : memref<10000x128xf32, #tpu.memory_space<vmem_shared>> -> memref<10000x128xf32, #tpu.memory_space<vmem_shared>>
      tpu.enqueue_indirect_dma source(%arg9 : memref<80x128xf32, #tpu.memory_space<vmem>>) target(%dma_start3A_52 : memref<10000x128xf32, #tpu.memory_space<vmem_shared>>) offsets(%dma_start3A_49 : memref<80xi32, #tpu.memory_space<vmem>>) semaphore(%arg13 : memref<!tpu.dma_semaphore, #tpu.memory_space<semaphore_mem>>) {add = true}
      %dma_wait3A_53 = arith.constant 23 : i32
      %dma_wait3A_54 = arith.constant 0 : i32
      %dma_wait3A_55 = tpu.memref_slice %arg7[%dma_wait3A_53, %dma_wait3A_54] : memref<25x80xi32, #tpu.memory_space<vmem>> -> memref<1x80xi32, #tpu.memory_space<vmem>>
      %dma_wait3A_56 = tpu.memref_squeeze %dma_wait3A_55 : memref<1x80xi32, #tpu.memory_space<vmem>> -> memref<80xi32, #tpu.memory_space<vmem>>
      %dma_wait3A_57 = arith.constant 0 : i32
      %dma_wait3A_58 = arith.constant 0 : i32
      %dma_wait3A_59 = tpu.memref_slice %arg2[%dma_wait3A_57, %dma_wait3A_58] : memref<10000x128xf32, #tpu.memory_space<hbm>> -> memref<10000x128xf32, #tpu.memory_space<hbm>>
      tpu.wait_indirect_dma semaphore(%arg12 : memref<!tpu.dma_semaphore, #tpu.memory_space<semaphore_mem>>) src(%dma_wait3A_59 : memref<10000x128xf32, #tpu.memory_space<hbm>>) dst(%arg10 : memref<80x128xf32, #tpu.memory_space<vmem>>)
      %dma_start3A_60 = arith.constant 23 : i32
      %dma_start3A_61 = arith.constant 0 : i32
      %dma_start3A_62 = tpu.memref_slice %arg8[%dma_start3A_60, %dma_start3A_61] : memref<25x80xi32, #tpu.memory_space<vmem>> -> memref<1x80xi32, #tpu.memory_space<vmem>>
      %dma_start3A_63 = tpu.memref_squeeze %dma_start3A_62 : memref<1x80xi32, #tpu.memory_space<vmem>> -> memref<80xi32, #tpu.memory_space<vmem>>
      %dma_start3A_64 = arith.constant 0 : i32
      %dma_start3A_65 = arith.constant 0 : i32
      %dma_start3A_66 = tpu.memref_slice %arg15[%dma_start3A_64, %dma_start3A_65] : memref<10000x128xf32, #tpu.memory_space<vmem_shared>> -> memref<10000x128xf32, #tpu.memory_space<vmem_shared>>
      tpu.enqueue_indirect_dma source(%arg10 : memref<80x128xf32, #tpu.memory_space<vmem>>) target(%dma_start3A_66 : memref<10000x128xf32, #tpu.memory_space<vmem_shared>>) offsets(%dma_start3A_63 : memref<80xi32, #tpu.memory_space<vmem>>) semaphore(%arg14 : memref<!tpu.dma_semaphore, #tpu.memory_space<semaphore_mem>>) {add = true}
      %dma_wait3A_67 = arith.constant 22 : i32
      %dma_wait3A_68 = arith.constant 0 : i32
      %dma_wait3A_69 = tpu.memref_slice %arg8[%dma_wait3A_67, %dma_wait3A_68] : memref<25x80xi32, #tpu.memory_space<vmem>> -> memref<1x80xi32, #tpu.memory_space<vmem>>
      %dma_wait3A_70 = tpu.memref_squeeze %dma_wait3A_69 : memref<1x80xi32, #tpu.memory_space<vmem>> -> memref<80xi32, #tpu.memory_space<vmem>>
      %dma_wait3A_71 = arith.constant 0 : i32
      %dma_wait3A_72 = arith.constant 0 : i32
      %dma_wait3A_73 = tpu.memref_slice %arg15[%dma_wait3A_71, %dma_wait3A_72] : memref<10000x128xf32, #tpu.memory_space<vmem_shared>> -> memref<10000x128xf32, #tpu.memory_space<vmem_shared>>
      tpu.wait_indirect_dma semaphore(%arg13 : memref<!tpu.dma_semaphore, #tpu.memory_space<semaphore_mem>>) src(%arg9 : memref<80x128xf32, #tpu.memory_space<vmem>>) dst(%dma_wait3A_73 : memref<10000x128xf32, #tpu.memory_space<vmem_shared>>)
      %dma_start3A_74 = arith.constant 24 : i32
      %dma_start3A_75 = arith.constant 0 : i32
      %dma_start3A_76 = tpu.memref_slice %arg7[%dma_start3A_74, %dma_start3A_75] : memref<25x80xi32, #tpu.memory_space<vmem>> -> memref<1x80xi32, #tpu.memory_space<vmem>>
      %dma_start3A_77 = tpu.memref_squeeze %dma_start3A_76 : memref<1x80xi32, #tpu.memory_space<vmem>> -> memref<80xi32, #tpu.memory_space<vmem>>
      %dma_start3A_78 = arith.constant 0 : i32
      %dma_start3A_79 = arith.constant 0 : i32
      %dma_start3A_80 = tpu.memref_slice %arg2[%dma_start3A_78, %dma_start3A_79] : memref<10000x128xf32, #tpu.memory_space<hbm>> -> memref<10000x128xf32, #tpu.memory_space<hbm>>
      tpu.enqueue_indirect_dma source(%dma_start3A_80 : memref<10000x128xf32, #tpu.memory_space<hbm>>) target(%arg9 : memref<80x128xf32, #tpu.memory_space<vmem>>) offsets(%dma_start3A_77 : memref<80xi32, #tpu.memory_space<vmem>>) semaphore(%arg11 : memref<!tpu.dma_semaphore, #tpu.memory_space<semaphore_mem>>)
      %dma_wait3A_81 = arith.constant 24 : i32
      %dma_wait3A_82 = arith.constant 0 : i32
      %dma_wait3A_83 = tpu.memref_slice %arg7[%dma_wait3A_81, %dma_wait3A_82] : memref<25x80xi32, #tpu.memory_space<vmem>> -> memref<1x80xi32, #tpu.memory_space<vmem>>
      %dma_wait3A_84 = tpu.memref_squeeze %dma_wait3A_83 : memref<1x80xi32, #tpu.memory_space<vmem>> -> memref<80xi32, #tpu.memory_space<vmem>>
      %dma_wait3A_85 = arith.constant 0 : i32
      %dma_wait3A_86 = arith.constant 0 : i32
      %dma_wait3A_87 = tpu.memref_slice %arg2[%dma_wait3A_85, %dma_wait3A_86] : memref<10000x128xf32, #tpu.memory_space<hbm>> -> memref<10000x128xf32, #tpu.memory_space<hbm>>
      tpu.wait_indirect_dma semaphore(%arg11 : memref<!tpu.dma_semaphore, #tpu.memory_space<semaphore_mem>>) src(%dma_wait3A_87 : memref<10000x128xf32, #tpu.memory_space<hbm>>) dst(%arg9 : memref<80x128xf32, #tpu.memory_space<vmem>>)
      %dma_start3A_88 = arith.constant 24 : i32
      %dma_start3A_89 = arith.constant 0 : i32
      %dma_start3A_90 = tpu.memref_slice %arg8[%dma_start3A_88, %dma_start3A_89] : memref<25x80xi32, #tpu.memory_space<vmem>> -> memref<1x80xi32, #tpu.memory_space<vmem>>
      %dma_start3A_91 = tpu.memref_squeeze %dma_start3A_90 : memref<1x80xi32, #tpu.memory_space<vmem>> -> memref<80xi32, #tpu.memory_space<vmem>>
      %dma_start3A_92 = arith.constant 0 : i32
      %dma_start3A_93 = arith.constant 0 : i32
      %dma_start3A_94 = tpu.memref_slice %arg15[%dma_start3A_92, %dma_start3A_93] : memref<10000x128xf32, #tpu.memory_space<vmem_shared>> -> memref<10000x128xf32, #tpu.memory_space<vmem_shared>>
      tpu.enqueue_indirect_dma source(%arg9 : memref<80x128xf32, #tpu.memory_space<vmem>>) target(%dma_start3A_94 : memref<10000x128xf32, #tpu.memory_space<vmem_shared>>) offsets(%dma_start3A_91 : memref<80xi32, #tpu.memory_space<vmem>>) semaphore(%arg13 : memref<!tpu.dma_semaphore, #tpu.memory_space<semaphore_mem>>) {add = true}
      %dma_wait3A_95 = arith.constant 23 : i32
      %dma_wait3A_96 = arith.constant 0 : i32
      %dma_wait3A_97 = tpu.memref_slice %arg8[%dma_wait3A_95, %dma_wait3A_96] : memref<25x80xi32, #tpu.memory_space<vmem>> -> memref<1x80xi32, #tpu.memory_space<vmem>>
      %dma_wait3A_98 = tpu.memref_squeeze %dma_wait3A_97 : memref<1x80xi32, #tpu.memory_space<vmem>> -> memref<80xi32, #tpu.memory_space<vmem>>
      %dma_wait3A_99 = arith.constant 0 : i32
      %dma_wait3A_100 = arith.constant 0 : i32
      %dma_wait3A_101 = tpu.memref_slice %arg15[%dma_wait3A_99, %dma_wait3A_100] : memref<10000x128xf32, #tpu.memory_space<vmem_shared>> -> memref<10000x128xf32, #tpu.memory_space<vmem_shared>>
      tpu.wait_indirect_dma semaphore(%arg14 : memref<!tpu.dma_semaphore, #tpu.memory_space<semaphore_mem>>) src(%arg10 : memref<80x128xf32, #tpu.memory_space<vmem>>) dst(%dma_wait3A_101 : memref<10000x128xf32, #tpu.memory_space<vmem_shared>>)
      %dma_wait3A_102 = arith.constant 24 : i32
      %dma_wait3A_103 = arith.constant 0 : i32
      %dma_wait3A_104 = tpu.memref_slice %arg8[%dma_wait3A_102, %dma_wait3A_103] : memref<25x80xi32, #tpu.memory_space<vmem>> -> memref<1x80xi32, #tpu.memory_space<vmem>>
      %dma_wait3A_105 = tpu.memref_squeeze %dma_wait3A_104 : memref<1x80xi32, #tpu.memory_space<vmem>> -> memref<80xi32, #tpu.memory_space<vmem>>
      %dma_wait3A_106 = arith.constant 0 : i32
      %dma_wait3A_107 = arith.constant 0 : i32
      %dma_wait3A_108 = tpu.memref_slice %arg15[%dma_wait3A_106, %dma_wait3A_107] : memref<10000x128xf32, #tpu.memory_space<vmem_shared>> -> memref<10000x128xf32, #tpu.memory_space<vmem_shared>>
      tpu.wait_indirect_dma semaphore(%arg13 : memref<!tpu.dma_semaphore, #tpu.memory_space<semaphore_mem>>) src(%arg9 : memref<80x128xf32, #tpu.memory_space<vmem>>) dst(%dma_wait3A_108 : memref<10000x128xf32, #tpu.memory_space<vmem_shared>>)
    }
    %scan3A_13 = arith.constant 5 : i32
    %barrier3A_14 = arith.constant 0 : index
    tpu.barrier barrier_id(%barrier3A_14)
    "tpu.region"() ({
      %run_scoped3A = tpu.sem_alloc : memref<!tpu.dma_semaphore, #tpu.memory_space<semaphore_mem>>
      %dma_start3A = arith.constant 0 : i32
      %dma_start3A_20 = tpu.memref_slice %arg6[%arg0, %multiple_of3A, %dma_start3A] : memref<2x10000x128xf32, #tpu.memory_space<hbm>> -> memref<1x624x128xf32, #tpu.memory_space<hbm>>
      %dma_start3A_21 = tpu.memref_squeeze %dma_start3A_20 : memref<1x624x128xf32, #tpu.memory_space<hbm>> -> memref<624x128xf32, #tpu.memory_space<hbm>>
      %dma_start3A_22 = arith.constant 0 : i32
      %dma_start3A_23 = tpu.memref_slice %arg15[%multiple_of3A, %dma_start3A_22] : memref<10000x128xf32, #tpu.memory_space<vmem_shared>> -> memref<624x128xf32, #tpu.memory_space<vmem_shared>>
      tpu.enqueue_dma source(%dma_start3A_23 : memref<624x128xf32, #tpu.memory_space<vmem_shared>>) target(%dma_start3A_21 : memref<624x128xf32, #tpu.memory_space<hbm>>) target_semaphore(%run_scoped3A : memref<!tpu.dma_semaphore, #tpu.memory_space<semaphore_mem>>)
      %dma_wait3A = arith.constant 0 : i32
      %dma_wait3A_24 = tpu.memref_slice %arg6[%arg0, %multiple_of3A, %dma_wait3A] : memref<2x10000x128xf32, #tpu.memory_space<hbm>> -> memref<1x624x128xf32, #tpu.memory_space<hbm>>
      %dma_wait3A_25 = tpu.memref_squeeze %dma_wait3A_24 : memref<1x624x128xf32, #tpu.memory_space<hbm>> -> memref<624x128xf32, #tpu.memory_space<hbm>>
      %dma_wait3A_26 = arith.constant 0 : i32
      %dma_wait3A_27 = tpu.memref_slice %arg15[%multiple_of3A, %dma_wait3A_26] : memref<10000x128xf32, #tpu.memory_space<vmem_shared>> -> memref<624x128xf32, #tpu.memory_space<vmem_shared>>
      tpu.wait_dma2 semaphore(%run_scoped3A : memref<!tpu.dma_semaphore, #tpu.memory_space<semaphore_mem>>) src(%dma_wait3A_27 : memref<624x128xf32, #tpu.memory_space<vmem_shared>>) dst(%dma_wait3A_25 : memref<624x128xf32, #tpu.memory_space<hbm>>)
      tpu.yield
    }) : () -> ()
    %eq3A_15 = arith.constant 15 : i32
    %eq3A_16 = arith.cmpi eq, %arg1, %eq3A_15 : i32
    %convert_element_type3A_17 = arith.extui %eq3A_16 : i1 to i32
    %cond3A_18 = arith.constant 0 : i32
    %cond3A_19 = arith.cmpi ne, %convert_element_type3A_17, %cond3A_18 : i32
    scf.if %cond3A_19 {
      "tpu.region"() ({
        %run_scoped3A = tpu.sem_alloc : memref<!tpu.dma_semaphore, #tpu.memory_space<semaphore_mem>>
        %dma_start3A = arith.constant 9984 : i32
        %dma_start3A_20 = arith.constant 0 : i32
        %dma_start3A_21 = tpu.memref_slice %arg6[%arg0, %dma_start3A, %dma_start3A_20] : memref<2x10000x128xf32, #tpu.memory_space<hbm>> -> memref<1x16x128xf32, #tpu.memory_space<hbm>>
        %dma_start3A_22 = tpu.memref_squeeze %dma_start3A_21 : memref<1x16x128xf32, #tpu.memory_space<hbm>> -> memref<16x128xf32, #tpu.memory_space<hbm>>
        %dma_start3A_23 = arith.constant 9984 : i32
        %dma_start3A_24 = arith.constant 0 : i32
        %dma_start3A_25 = tpu.memref_slice %arg15[%dma_start3A_23, %dma_start3A_24] : memref<10000x128xf32, #tpu.memory_space<vmem_shared>> -> memref<16x128xf32, #tpu.memory_space<vmem_shared>>
        tpu.enqueue_dma source(%dma_start3A_25 : memref<16x128xf32, #tpu.memory_space<vmem_shared>>) target(%dma_start3A_22 : memref<16x128xf32, #tpu.memory_space<hbm>>) target_semaphore(%run_scoped3A : memref<!tpu.dma_semaphore, #tpu.memory_space<semaphore_mem>>)
        %dma_wait3A = arith.constant 9984 : i32
        %dma_wait3A_26 = arith.constant 0 : i32
        %dma_wait3A_27 = tpu.memref_slice %arg6[%arg0, %dma_wait3A, %dma_wait3A_26] : memref<2x10000x128xf32, #tpu.memory_space<hbm>> -> memref<1x16x128xf32, #tpu.memory_space<hbm>>
        %dma_wait3A_28 = tpu.memref_squeeze %dma_wait3A_27 : memref<1x16x128xf32, #tpu.memory_space<hbm>> -> memref<16x128xf32, #tpu.memory_space<hbm>>
        %dma_wait3A_29 = arith.constant 9984 : i32
        %dma_wait3A_30 = arith.constant 0 : i32
        %dma_wait3A_31 = tpu.memref_slice %arg15[%dma_wait3A_29, %dma_wait3A_30] : memref<10000x128xf32, #tpu.memory_space<vmem_shared>> -> memref<16x128xf32, #tpu.memory_space<vmem_shared>>
        tpu.wait_dma2 semaphore(%run_scoped3A : memref<!tpu.dma_semaphore, #tpu.memory_space<semaphore_mem>>) src(%dma_wait3A_31 : memref<16x128xf32, #tpu.memory_space<vmem_shared>>) dst(%dma_wait3A_28 : memref<16x128xf32, #tpu.memory_space<hbm>>)
        tpu.yield
      }) : () -> ()
    } else {
    }
    return
  }
}

#map = affine_map<(d0, d1) -> (0, 0, 0)>
#map1 = affine_map<(d0, d1) -> (0)>
module attributes {stable_mosaic.version = 14 : i64} {
  func.func @_deg_body(%arg0: i32, %arg1: i32, %arg2: memref<32x125x80xi32, #tpu.memory_space<hbm>>, %arg3: memref<20000xf32, #tpu.memory_space<hbm>>, %arg4: memref<125x80xi32, #tpu.memory_space<vmem>>, %arg5: memref<80xf32, #tpu.memory_space<vmem>>, %arg6: memref<624xf32, #tpu.memory_space<vmem>>, %arg7: memref<!tpu.dma_semaphore, #tpu.memory_space<semaphore_mem>>, %arg8: memref<10000xf32, #tpu.memory_space<vmem_shared>>) attributes {dimension_semantics = [#tpu.dimension_semantics<core_parallel>, #tpu.dimension_semantics<subcore_parallel>], iteration_bounds = array<i64: 2, 16>, scalar_prefetch = 0 : i64, scratch_operands = 5 : i64, tpu.core_type = #tpu.core_type<sc_vector_subcore>, window_params = [{transform_indices = #map}, {transform_indices = #map1}]} {
    %mul3A = arith.constant 16 : i32
    %mul3A_0 = arith.muli %arg0, %mul3A : i32
    %add3A = arith.addi %mul3A_0, %arg1 : i32
    "tpu.region"() ({
      %run_scoped3A = tpu.sem_alloc : memref<!tpu.dma_semaphore, #tpu.memory_space<semaphore_mem>>
      %dma_start3A_375 = arith.constant 0 : i32
      %dma_start3A_376 = arith.constant 0 : i32
      %dma_start3A_377 = tpu.memref_slice %arg2[%add3A, %dma_start3A_375, %dma_start3A_376] : memref<32x125x80xi32, #tpu.memory_space<hbm>> -> memref<1x125x80xi32, #tpu.memory_space<hbm>>
      %dma_start3A_378 = tpu.memref_squeeze %dma_start3A_377 : memref<1x125x80xi32, #tpu.memory_space<hbm>> -> memref<125x80xi32, #tpu.memory_space<hbm>>
      %dma_start3A_379 = arith.constant 0 : i32
      %dma_start3A_380 = arith.constant 0 : i32
      %dma_start3A_381 = tpu.memref_slice %arg2[%add3A, %dma_start3A_379, %dma_start3A_380] : memref<32x125x80xi32, #tpu.memory_space<hbm>> -> memref<1x125x80xi32, #tpu.memory_space<hbm>>
      %dma_start3A_382 = tpu.memref_squeeze %dma_start3A_381 : memref<1x125x80xi32, #tpu.memory_space<hbm>> -> memref<125x80xi32, #tpu.memory_space<hbm>>
      tpu.enqueue_dma source(%dma_start3A_382 : memref<125x80xi32, #tpu.memory_space<hbm>>) target(%arg4 : memref<125x80xi32, #tpu.memory_space<vmem>>) target_semaphore(%run_scoped3A : memref<!tpu.dma_semaphore, #tpu.memory_space<semaphore_mem>>)
      %dma_wait3A_383 = arith.constant 0 : i32
      %dma_wait3A_384 = arith.constant 0 : i32
      %dma_wait3A_385 = tpu.memref_slice %arg2[%add3A, %dma_wait3A_383, %dma_wait3A_384] : memref<32x125x80xi32, #tpu.memory_space<hbm>> -> memref<1x125x80xi32, #tpu.memory_space<hbm>>
      %dma_wait3A_386 = tpu.memref_squeeze %dma_wait3A_385 : memref<1x125x80xi32, #tpu.memory_space<hbm>> -> memref<125x80xi32, #tpu.memory_space<hbm>>
      %dma_wait3A_387 = arith.constant 0 : i32
      %dma_wait3A_388 = arith.constant 0 : i32
      %dma_wait3A_389 = tpu.memref_slice %arg2[%add3A, %dma_wait3A_387, %dma_wait3A_388] : memref<32x125x80xi32, #tpu.memory_space<hbm>> -> memref<1x125x80xi32, #tpu.memory_space<hbm>>
      %dma_wait3A_390 = tpu.memref_squeeze %dma_wait3A_389 : memref<1x125x80xi32, #tpu.memory_space<hbm>> -> memref<125x80xi32, #tpu.memory_space<hbm>>
      tpu.wait_dma2 semaphore(%run_scoped3A : memref<!tpu.dma_semaphore, #tpu.memory_space<semaphore_mem>>) src(%dma_wait3A_390 : memref<125x80xi32, #tpu.memory_space<hbm>>) dst(%arg4 : memref<125x80xi32, #tpu.memory_space<vmem>>)
      tpu.yield
    }) : () -> ()
    %broadcast_in_dim3A = arith.constant 1.000000e+00 : f32
    %broadcast_in_dim3A_1 = vector.broadcast %broadcast_in_dim3A : f32 to vector<16xf32>
    %swap3A = arith.constant 0 : index
    %swap3A_2 = tpu.vector_load %arg5[%swap3A] {strides = array<i32>} : memref<80xf32, #tpu.memory_space<vmem>>, vector<16xf32>,
    %swap3A_3 = vector.shape_cast %swap3A_2 : vector<16xf32> to vector<16xf32>
    %swap3A_4 = vector.shape_cast %broadcast_in_dim3A_1 : vector<16xf32> to vector<16xf32>
    tpu.vector_store %arg5[%swap3A], %swap3A_4 {strides = array<i32>} : memref<80xf32, #tpu.memory_space<vmem>>, vector<16xf32>,
    %broadcast_in_dim3A_5 = arith.constant 1.000000e+00 : f32
    %broadcast_in_dim3A_6 = vector.broadcast %broadcast_in_dim3A_5 : f32 to vector<16xf32>
    %swap3A_7 = arith.constant 16 : index
    %swap3A_8 = tpu.vector_load %arg5[%swap3A_7] {strides = array<i32>} : memref<80xf32, #tpu.memory_space<vmem>>, vector<16xf32>,
    %swap3A_9 = vector.shape_cast %swap3A_8 : vector<16xf32> to vector<16xf32>
    %swap3A_10 = vector.shape_cast %broadcast_in_dim3A_6 : vector<16xf32> to vector<16xf32>
    tpu.vector_store %arg5[%swap3A_7], %swap3A_10 {strides = array<i32>} : memref<80xf32, #tpu.memory_space<vmem>>, vector<16xf32>,
    %broadcast_in_dim3A_11 = arith.constant 1.000000e+00 : f32
    %broadcast_in_dim3A_12 = vector.broadcast %broadcast_in_dim3A_11 : f32 to vector<16xf32>
    %swap3A_13 = arith.constant 32 : index
    %swap3A_14 = tpu.vector_load %arg5[%swap3A_13] {strides = array<i32>} : memref<80xf32, #tpu.memory_space<vmem>>, vector<16xf32>,
    %swap3A_15 = vector.shape_cast %swap3A_14 : vector<16xf32> to vector<16xf32>
    %swap3A_16 = vector.shape_cast %broadcast_in_dim3A_12 : vector<16xf32> to vector<16xf32>
    tpu.vector_store %arg5[%swap3A_13], %swap3A_16 {strides = array<i32>} : memref<80xf32, #tpu.memory_space<vmem>>, vector<16xf32>,
    %broadcast_in_dim3A_17 = arith.constant 1.000000e+00 : f32
    %broadcast_in_dim3A_18 = vector.broadcast %broadcast_in_dim3A_17 : f32 to vector<16xf32>
    %swap3A_19 = arith.constant 48 : index
    %swap3A_20 = tpu.vector_load %arg5[%swap3A_19] {strides = array<i32>} : memref<80xf32, #tpu.memory_space<vmem>>, vector<16xf32>,
    %swap3A_21 = vector.shape_cast %swap3A_20 : vector<16xf32> to vector<16xf32>
    %swap3A_22 = vector.shape_cast %broadcast_in_dim3A_18 : vector<16xf32> to vector<16xf32>
    tpu.vector_store %arg5[%swap3A_19], %swap3A_22 {strides = array<i32>} : memref<80xf32, #tpu.memory_space<vmem>>, vector<16xf32>,
    %broadcast_in_dim3A_23 = arith.constant 1.000000e+00 : f32
    %broadcast_in_dim3A_24 = vector.broadcast %broadcast_in_dim3A_23 : f32 to vector<16xf32>
    %swap3A_25 = arith.constant 64 : index
    %swap3A_26 = tpu.vector_load %arg5[%swap3A_25] {strides = array<i32>} : memref<80xf32, #tpu.memory_space<vmem>>, vector<16xf32>,
    %swap3A_27 = vector.shape_cast %swap3A_26 : vector<16xf32> to vector<16xf32>
    %swap3A_28 = vector.shape_cast %broadcast_in_dim3A_24 : vector<16xf32> to vector<16xf32>
    tpu.vector_store %arg5[%swap3A_25], %swap3A_28 {strides = array<i32>} : memref<80xf32, #tpu.memory_space<vmem>>, vector<16xf32>,
    %broadcast_in_dim3A_29 = arith.constant 0.000000e+00 : f32
    %broadcast_in_dim3A_30 = vector.broadcast %broadcast_in_dim3A_29 : f32 to vector<16xf32>
    %swap3A_31 = arith.constant 0 : index
    %swap3A_32 = tpu.vector_load %arg6[%swap3A_31] {strides = array<i32>} : memref<624xf32, #tpu.memory_space<vmem>>, vector<16xf32>,
    %swap3A_33 = vector.shape_cast %swap3A_32 : vector<16xf32> to vector<16xf32>
    %swap3A_34 = vector.shape_cast %broadcast_in_dim3A_30 : vector<16xf32> to vector<16xf32>
    tpu.vector_store %arg6[%swap3A_31], %swap3A_34 {strides = array<i32>} : memref<624xf32, #tpu.memory_space<vmem>>, vector<16xf32>,
    %broadcast_in_dim3A_35 = arith.constant 0.000000e+00 : f32
    %broadcast_in_dim3A_36 = vector.broadcast %broadcast_in_dim3A_35 : f32 to vector<16xf32>
    %swap3A_37 = arith.constant 16 : index
    %swap3A_38 = tpu.vector_load %arg6[%swap3A_37] {strides = array<i32>} : memref<624xf32, #tpu.memory_space<vmem>>, vector<16xf32>,
    %swap3A_39 = vector.shape_cast %swap3A_38 : vector<16xf32> to vector<16xf32>
    %swap3A_40 = vector.shape_cast %broadcast_in_dim3A_36 : vector<16xf32> to vector<16xf32>
    tpu.vector_store %arg6[%swap3A_37], %swap3A_40 {strides = array<i32>} : memref<624xf32, #tpu.memory_space<vmem>>, vector<16xf32>,
    %broadcast_in_dim3A_41 = arith.constant 0.000000e+00 : f32
    %broadcast_in_dim3A_42 = vector.broadcast %broadcast_in_dim3A_41 : f32 to vector<16xf32>
    %swap3A_43 = arith.constant 32 : index
    %swap3A_44 = tpu.vector_load %arg6[%swap3A_43] {strides = array<i32>} : memref<624xf32, #tpu.memory_space<vmem>>, vector<16xf32>,
    %swap3A_45 = vector.shape_cast %swap3A_44 : vector<16xf32> to vector<16xf32>
    %swap3A_46 = vector.shape_cast %broadcast_in_dim3A_42 : vector<16xf32> to vector<16xf32>
    tpu.vector_store %arg6[%swap3A_43], %swap3A_46 {strides = array<i32>} : memref<624xf32, #tpu.memory_space<vmem>>, vector<16xf32>,
    %broadcast_in_dim3A_47 = arith.constant 0.000000e+00 : f32
    %broadcast_in_dim3A_48 = vector.broadcast %broadcast_in_dim3A_47 : f32 to vector<16xf32>
    %swap3A_49 = arith.constant 48 : index
    %swap3A_50 = tpu.vector_load %arg6[%swap3A_49] {strides = array<i32>} : memref<624xf32, #tpu.memory_space<vmem>>, vector<16xf32>,
    %swap3A_51 = vector.shape_cast %swap3A_50 : vector<16xf32> to vector<16xf32>
    %swap3A_52 = vector.shape_cast %broadcast_in_dim3A_48 : vector<16xf32> to vector<16xf32>
    tpu.vector_store %arg6[%swap3A_49], %swap3A_52 {strides = array<i32>} : memref<624xf32, #tpu.memory_space<vmem>>, vector<16xf32>,
    %broadcast_in_dim3A_53 = arith.constant 0.000000e+00 : f32
    %broadcast_in_dim3A_54 = vector.broadcast %broadcast_in_dim3A_53 : f32 to vector<16xf32>
    %swap3A_55 = arith.constant 64 : index
    %swap3A_56 = tpu.vector_load %arg6[%swap3A_55] {strides = array<i32>} : memref<624xf32, #tpu.memory_space<vmem>>, vector<16xf32>,
    %swap3A_57 = vector.shape_cast %swap3A_56 : vector<16xf32> to vector<16xf32>
    %swap3A_58 = vector.shape_cast %broadcast_in_dim3A_54 : vector<16xf32> to vector<16xf32>
    tpu.vector_store %arg6[%swap3A_55], %swap3A_58 {strides = array<i32>} : memref<624xf32, #tpu.memory_space<vmem>>, vector<16xf32>,
    %broadcast_in_dim3A_59 = arith.constant 0.000000e+00 : f32
    %broadcast_in_dim3A_60 = vector.broadcast %broadcast_in_dim3A_59 : f32 to vector<16xf32>
    %swap3A_61 = arith.constant 80 : index
    %swap3A_62 = tpu.vector_load %arg6[%swap3A_61] {strides = array<i32>} : memref<624xf32, #tpu.memory_space<vmem>>, vector<16xf32>,
    %swap3A_63 = vector.shape_cast %swap3A_62 : vector<16xf32> to vector<16xf32>
    %swap3A_64 = vector.shape_cast %broadcast_in_dim3A_60 : vector<16xf32> to vector<16xf32>
    tpu.vector_store %arg6[%swap3A_61], %swap3A_64 {strides = array<i32>} : memref<624xf32, #tpu.memory_space<vmem>>, vector<16xf32>,
    %broadcast_in_dim3A_65 = arith.constant 0.000000e+00 : f32
    %broadcast_in_dim3A_66 = vector.broadcast %broadcast_in_dim3A_65 : f32 to vector<16xf32>
    %swap3A_67 = arith.constant 96 : index
    %swap3A_68 = tpu.vector_load %arg6[%swap3A_67] {strides = array<i32>} : memref<624xf32, #tpu.memory_space<vmem>>, vector<16xf32>,
    %swap3A_69 = vector.shape_cast %swap3A_68 : vector<16xf32> to vector<16xf32>
    %swap3A_70 = vector.shape_cast %broadcast_in_dim3A_66 : vector<16xf32> to vector<16xf32>
    tpu.vector_store %arg6[%swap3A_67], %swap3A_70 {strides = array<i32>} : memref<624xf32, #tpu.memory_space<vmem>>, vector<16xf32>,
    %broadcast_in_dim3A_71 = arith.constant 0.000000e+00 : f32
    %broadcast_in_dim3A_72 = vector.broadcast %broadcast_in_dim3A_71 : f32 to vector<16xf32>
    %swap3A_73 = arith.constant 112 : index
    %swap3A_74 = tpu.vector_load %arg6[%swap3A_73] {strides = array<i32>} : memref<624xf32, #tpu.memory_space<vmem>>, vector<16xf32>,
    %swap3A_75 = vector.shape_cast %swap3A_74 : vector<16xf32> to vector<16xf32>
    %swap3A_76 = vector.shape_cast %broadcast_in_dim3A_72 : vector<16xf32> to vector<16xf32>
    tpu.vector_store %arg6[%swap3A_73], %swap3A_76 {strides = array<i32>} : memref<624xf32, #tpu.memory_space<vmem>>, vector<16xf32>,
    %broadcast_in_dim3A_77 = arith.constant 0.000000e+00 : f32
    %broadcast_in_dim3A_78 = vector.broadcast %broadcast_in_dim3A_77 : f32 to vector<16xf32>
    %swap3A_79 = arith.constant 128 : index
    %swap3A_80 = tpu.vector_load %arg6[%swap3A_79] {strides = array<i32>} : memref<624xf32, #tpu.memory_space<vmem>>, vector<16xf32>,
    %swap3A_81 = vector.shape_cast %swap3A_80 : vector<16xf32> to vector<16xf32>
    %swap3A_82 = vector.shape_cast %broadcast_in_dim3A_78 : vector<16xf32> to vector<16xf32>
    tpu.vector_store %arg6[%swap3A_79], %swap3A_82 {strides = array<i32>} : memref<624xf32, #tpu.memory_space<vmem>>, vector<16xf32>,
    %broadcast_in_dim3A_83 = arith.constant 0.000000e+00 : f32
    %broadcast_in_dim3A_84 = vector.broadcast %broadcast_in_dim3A_83 : f32 to vector<16xf32>
    %swap3A_85 = arith.constant 144 : index
    %swap3A_86 = tpu.vector_load %arg6[%swap3A_85] {strides = array<i32>} : memref<624xf32, #tpu.memory_space<vmem>>, vector<16xf32>,
    %swap3A_87 = vector.shape_cast %swap3A_86 : vector<16xf32> to vector<16xf32>
    %swap3A_88 = vector.shape_cast %broadcast_in_dim3A_84 : vector<16xf32> to vector<16xf32>
    tpu.vector_store %arg6[%swap3A_85], %swap3A_88 {strides = array<i32>} : memref<624xf32, #tpu.memory_space<vmem>>, vector<16xf32>,
    %broadcast_in_dim3A_89 = arith.constant 0.000000e+00 : f32
    %broadcast_in_dim3A_90 = vector.broadcast %broadcast_in_dim3A_89 : f32 to vector<16xf32>
    %swap3A_91 = arith.constant 160 : index
    %swap3A_92 = tpu.vector_load %arg6[%swap3A_91] {strides = array<i32>} : memref<624xf32, #tpu.memory_space<vmem>>, vector<16xf32>,
    %swap3A_93 = vector.shape_cast %swap3A_92 : vector<16xf32> to vector<16xf32>
    %swap3A_94 = vector.shape_cast %broadcast_in_dim3A_90 : vector<16xf32> to vector<16xf32>
    tpu.vector_store %arg6[%swap3A_91], %swap3A_94 {strides = array<i32>} : memref<624xf32, #tpu.memory_space<vmem>>, vector<16xf32>,
    %broadcast_in_dim3A_95 = arith.constant 0.000000e+00 : f32
    %broadcast_in_dim3A_96 = vector.broadcast %broadcast_in_dim3A_95 : f32 to vector<16xf32>
    %swap3A_97 = arith.constant 176 : index
    %swap3A_98 = tpu.vector_load %arg6[%swap3A_97] {strides = array<i32>} : memref<624xf32, #tpu.memory_space<vmem>>, vector<16xf32>,
    %swap3A_99 = vector.shape_cast %swap3A_98 : vector<16xf32> to vector<16xf32>
    %swap3A_100 = vector.shape_cast %broadcast_in_dim3A_96 : vector<16xf32> to vector<16xf32>
    tpu.vector_store %arg6[%swap3A_97], %swap3A_100 {strides = array<i32>} : memref<624xf32, #tpu.memory_space<vmem>>, vector<16xf32>,
    %broadcast_in_dim3A_101 = arith.constant 0.000000e+00 : f32
    %broadcast_in_dim3A_102 = vector.broadcast %broadcast_in_dim3A_101 : f32 to vector<16xf32>
    %swap3A_103 = arith.constant 192 : index
    %swap3A_104 = tpu.vector_load %arg6[%swap3A_103] {strides = array<i32>} : memref<624xf32, #tpu.memory_space<vmem>>, vector<16xf32>,
    %swap3A_105 = vector.shape_cast %swap3A_104 : vector<16xf32> to vector<16xf32>
    %swap3A_106 = vector.shape_cast %broadcast_in_dim3A_102 : vector<16xf32> to vector<16xf32>
    tpu.vector_store %arg6[%swap3A_103], %swap3A_106 {strides = array<i32>} : memref<624xf32, #tpu.memory_space<vmem>>, vector<16xf32>,
    %broadcast_in_dim3A_107 = arith.constant 0.000000e+00 : f32
    %broadcast_in_dim3A_108 = vector.broadcast %broadcast_in_dim3A_107 : f32 to vector<16xf32>
    %swap3A_109 = arith.constant 208 : index
    %swap3A_110 = tpu.vector_load %arg6[%swap3A_109] {strides = array<i32>} : memref<624xf32, #tpu.memory_space<vmem>>, vector<16xf32>,
    %swap3A_111 = vector.shape_cast %swap3A_110 : vector<16xf32> to vector<16xf32>
    %swap3A_112 = vector.shape_cast %broadcast_in_dim3A_108 : vector<16xf32> to vector<16xf32>
    tpu.vector_store %arg6[%swap3A_109], %swap3A_112 {strides = array<i32>} : memref<624xf32, #tpu.memory_space<vmem>>, vector<16xf32>,
    %broadcast_in_dim3A_113 = arith.constant 0.000000e+00 : f32
    %broadcast_in_dim3A_114 = vector.broadcast %broadcast_in_dim3A_113 : f32 to vector<16xf32>
    %swap3A_115 = arith.constant 224 : index
    %swap3A_116 = tpu.vector_load %arg6[%swap3A_115] {strides = array<i32>} : memref<624xf32, #tpu.memory_space<vmem>>, vector<16xf32>,
    %swap3A_117 = vector.shape_cast %swap3A_116 : vector<16xf32> to vector<16xf32>
    %swap3A_118 = vector.shape_cast %broadcast_in_dim3A_114 : vector<16xf32> to vector<16xf32>
    tpu.vector_store %arg6[%swap3A_115], %swap3A_118 {strides = array<i32>} : memref<624xf32, #tpu.memory_space<vmem>>, vector<16xf32>,
    %broadcast_in_dim3A_119 = arith.constant 0.000000e+00 : f32
    %broadcast_in_dim3A_120 = vector.broadcast %broadcast_in_dim3A_119 : f32 to vector<16xf32>
    %swap3A_121 = arith.constant 240 : index
    %swap3A_122 = tpu.vector_load %arg6[%swap3A_121] {strides = array<i32>} : memref<624xf32, #tpu.memory_space<vmem>>, vector<16xf32>,
    %swap3A_123 = vector.shape_cast %swap3A_122 : vector<16xf32> to vector<16xf32>
    %swap3A_124 = vector.shape_cast %broadcast_in_dim3A_120 : vector<16xf32> to vector<16xf32>
    tpu.vector_store %arg6[%swap3A_121], %swap3A_124 {strides = array<i32>} : memref<624xf32, #tpu.memory_space<vmem>>, vector<16xf32>,
    %broadcast_in_dim3A_125 = arith.constant 0.000000e+00 : f32
    %broadcast_in_dim3A_126 = vector.broadcast %broadcast_in_dim3A_125 : f32 to vector<16xf32>
    %swap3A_127 = arith.constant 256 : index
    %swap3A_128 = tpu.vector_load %arg6[%swap3A_127] {strides = array<i32>} : memref<624xf32, #tpu.memory_space<vmem>>, vector<16xf32>,
    %swap3A_129 = vector.shape_cast %swap3A_128 : vector<16xf32> to vector<16xf32>
    %swap3A_130 = vector.shape_cast %broadcast_in_dim3A_126 : vector<16xf32> to vector<16xf32>
    tpu.vector_store %arg6[%swap3A_127], %swap3A_130 {strides = array<i32>} : memref<624xf32, #tpu.memory_space<vmem>>, vector<16xf32>,
    %broadcast_in_dim3A_131 = arith.constant 0.000000e+00 : f32
    %broadcast_in_dim3A_132 = vector.broadcast %broadcast_in_dim3A_131 : f32 to vector<16xf32>
    %swap3A_133 = arith.constant 272 : index
    %swap3A_134 = tpu.vector_load %arg6[%swap3A_133] {strides = array<i32>} : memref<624xf32, #tpu.memory_space<vmem>>, vector<16xf32>,
    %swap3A_135 = vector.shape_cast %swap3A_134 : vector<16xf32> to vector<16xf32>
    %swap3A_136 = vector.shape_cast %broadcast_in_dim3A_132 : vector<16xf32> to vector<16xf32>
    tpu.vector_store %arg6[%swap3A_133], %swap3A_136 {strides = array<i32>} : memref<624xf32, #tpu.memory_space<vmem>>, vector<16xf32>,
    %broadcast_in_dim3A_137 = arith.constant 0.000000e+00 : f32
    %broadcast_in_dim3A_138 = vector.broadcast %broadcast_in_dim3A_137 : f32 to vector<16xf32>
    %swap3A_139 = arith.constant 288 : index
    %swap3A_140 = tpu.vector_load %arg6[%swap3A_139] {strides = array<i32>} : memref<624xf32, #tpu.memory_space<vmem>>, vector<16xf32>,
    %swap3A_141 = vector.shape_cast %swap3A_140 : vector<16xf32> to vector<16xf32>
    %swap3A_142 = vector.shape_cast %broadcast_in_dim3A_138 : vector<16xf32> to vector<16xf32>
    tpu.vector_store %arg6[%swap3A_139], %swap3A_142 {strides = array<i32>} : memref<624xf32, #tpu.memory_space<vmem>>, vector<16xf32>,
    %broadcast_in_dim3A_143 = arith.constant 0.000000e+00 : f32
    %broadcast_in_dim3A_144 = vector.broadcast %broadcast_in_dim3A_143 : f32 to vector<16xf32>
    %swap3A_145 = arith.constant 304 : index
    %swap3A_146 = tpu.vector_load %arg6[%swap3A_145] {strides = array<i32>} : memref<624xf32, #tpu.memory_space<vmem>>, vector<16xf32>,
    %swap3A_147 = vector.shape_cast %swap3A_146 : vector<16xf32> to vector<16xf32>
    %swap3A_148 = vector.shape_cast %broadcast_in_dim3A_144 : vector<16xf32> to vector<16xf32>
    tpu.vector_store %arg6[%swap3A_145], %swap3A_148 {strides = array<i32>} : memref<624xf32, #tpu.memory_space<vmem>>, vector<16xf32>,
    %broadcast_in_dim3A_149 = arith.constant 0.000000e+00 : f32
    %broadcast_in_dim3A_150 = vector.broadcast %broadcast_in_dim3A_149 : f32 to vector<16xf32>
    %swap3A_151 = arith.constant 320 : index
    %swap3A_152 = tpu.vector_load %arg6[%swap3A_151] {strides = array<i32>} : memref<624xf32, #tpu.memory_space<vmem>>, vector<16xf32>,
    %swap3A_153 = vector.shape_cast %swap3A_152 : vector<16xf32> to vector<16xf32>
    %swap3A_154 = vector.shape_cast %broadcast_in_dim3A_150 : vector<16xf32> to vector<16xf32>
    tpu.vector_store %arg6[%swap3A_151], %swap3A_154 {strides = array<i32>} : memref<624xf32, #tpu.memory_space<vmem>>, vector<16xf32>,
    %broadcast_in_dim3A_155 = arith.constant 0.000000e+00 : f32
    %broadcast_in_dim3A_156 = vector.broadcast %broadcast_in_dim3A_155 : f32 to vector<16xf32>
    %swap3A_157 = arith.constant 336 : index
    %swap3A_158 = tpu.vector_load %arg6[%swap3A_157] {strides = array<i32>} : memref<624xf32, #tpu.memory_space<vmem>>, vector<16xf32>,
    %swap3A_159 = vector.shape_cast %swap3A_158 : vector<16xf32> to vector<16xf32>
    %swap3A_160 = vector.shape_cast %broadcast_in_dim3A_156 : vector<16xf32> to vector<16xf32>
    tpu.vector_store %arg6[%swap3A_157], %swap3A_160 {strides = array<i32>} : memref<624xf32, #tpu.memory_space<vmem>>, vector<16xf32>,
    %broadcast_in_dim3A_161 = arith.constant 0.000000e+00 : f32
    %broadcast_in_dim3A_162 = vector.broadcast %broadcast_in_dim3A_161 : f32 to vector<16xf32>
    %swap3A_163 = arith.constant 352 : index
    %swap3A_164 = tpu.vector_load %arg6[%swap3A_163] {strides = array<i32>} : memref<624xf32, #tpu.memory_space<vmem>>, vector<16xf32>,
    %swap3A_165 = vector.shape_cast %swap3A_164 : vector<16xf32> to vector<16xf32>
    %swap3A_166 = vector.shape_cast %broadcast_in_dim3A_162 : vector<16xf32> to vector<16xf32>
    tpu.vector_store %arg6[%swap3A_163], %swap3A_166 {strides = array<i32>} : memref<624xf32, #tpu.memory_space<vmem>>, vector<16xf32>,
    %broadcast_in_dim3A_167 = arith.constant 0.000000e+00 : f32
    %broadcast_in_dim3A_168 = vector.broadcast %broadcast_in_dim3A_167 : f32 to vector<16xf32>
    %swap3A_169 = arith.constant 368 : index
    %swap3A_170 = tpu.vector_load %arg6[%swap3A_169] {strides = array<i32>} : memref<624xf32, #tpu.memory_space<vmem>>, vector<16xf32>,
    %swap3A_171 = vector.shape_cast %swap3A_170 : vector<16xf32> to vector<16xf32>
    %swap3A_172 = vector.shape_cast %broadcast_in_dim3A_168 : vector<16xf32> to vector<16xf32>
    tpu.vector_store %arg6[%swap3A_169], %swap3A_172 {strides = array<i32>} : memref<624xf32, #tpu.memory_space<vmem>>, vector<16xf32>,
    %broadcast_in_dim3A_173 = arith.constant 0.000000e+00 : f32
    %broadcast_in_dim3A_174 = vector.broadcast %broadcast_in_dim3A_173 : f32 to vector<16xf32>
    %swap3A_175 = arith.constant 384 : index
    %swap3A_176 = tpu.vector_load %arg6[%swap3A_175] {strides = array<i32>} : memref<624xf32, #tpu.memory_space<vmem>>, vector<16xf32>,
    %swap3A_177 = vector.shape_cast %swap3A_176 : vector<16xf32> to vector<16xf32>
    %swap3A_178 = vector.shape_cast %broadcast_in_dim3A_174 : vector<16xf32> to vector<16xf32>
    tpu.vector_store %arg6[%swap3A_175], %swap3A_178 {strides = array<i32>} : memref<624xf32, #tpu.memory_space<vmem>>, vector<16xf32>,
    %broadcast_in_dim3A_179 = arith.constant 0.000000e+00 : f32
    %broadcast_in_dim3A_180 = vector.broadcast %broadcast_in_dim3A_179 : f32 to vector<16xf32>
    %swap3A_181 = arith.constant 400 : index
    %swap3A_182 = tpu.vector_load %arg6[%swap3A_181] {strides = array<i32>} : memref<624xf32, #tpu.memory_space<vmem>>, vector<16xf32>,
    %swap3A_183 = vector.shape_cast %swap3A_182 : vector<16xf32> to vector<16xf32>
    %swap3A_184 = vector.shape_cast %broadcast_in_dim3A_180 : vector<16xf32> to vector<16xf32>
    tpu.vector_store %arg6[%swap3A_181], %swap3A_184 {strides = array<i32>} : memref<624xf32, #tpu.memory_space<vmem>>, vector<16xf32>,
    %broadcast_in_dim3A_185 = arith.constant 0.000000e+00 : f32
    %broadcast_in_dim3A_186 = vector.broadcast %broadcast_in_dim3A_185 : f32 to vector<16xf32>
    %swap3A_187 = arith.constant 416 : index
    %swap3A_188 = tpu.vector_load %arg6[%swap3A_187] {strides = array<i32>} : memref<624xf32, #tpu.memory_space<vmem>>, vector<16xf32>,
    %swap3A_189 = vector.shape_cast %swap3A_188 : vector<16xf32> to vector<16xf32>
    %swap3A_190 = vector.shape_cast %broadcast_in_dim3A_186 : vector<16xf32> to vector<16xf32>
    tpu.vector_store %arg6[%swap3A_187], %swap3A_190 {strides = array<i32>} : memref<624xf32, #tpu.memory_space<vmem>>, vector<16xf32>,
    %broadcast_in_dim3A_191 = arith.constant 0.000000e+00 : f32
    %broadcast_in_dim3A_192 = vector.broadcast %broadcast_in_dim3A_191 : f32 to vector<16xf32>
    %swap3A_193 = arith.constant 432 : index
    %swap3A_194 = tpu.vector_load %arg6[%swap3A_193] {strides = array<i32>} : memref<624xf32, #tpu.memory_space<vmem>>, vector<16xf32>,
    %swap3A_195 = vector.shape_cast %swap3A_194 : vector<16xf32> to vector<16xf32>
    %swap3A_196 = vector.shape_cast %broadcast_in_dim3A_192 : vector<16xf32> to vector<16xf32>
    tpu.vector_store %arg6[%swap3A_193], %swap3A_196 {strides = array<i32>} : memref<624xf32, #tpu.memory_space<vmem>>, vector<16xf32>,
    %broadcast_in_dim3A_197 = arith.constant 0.000000e+00 : f32
    %broadcast_in_dim3A_198 = vector.broadcast %broadcast_in_dim3A_197 : f32 to vector<16xf32>
    %swap3A_199 = arith.constant 448 : index
    %swap3A_200 = tpu.vector_load %arg6[%swap3A_199] {strides = array<i32>} : memref<624xf32, #tpu.memory_space<vmem>>, vector<16xf32>,
    %swap3A_201 = vector.shape_cast %swap3A_200 : vector<16xf32> to vector<16xf32>
    %swap3A_202 = vector.shape_cast %broadcast_in_dim3A_198 : vector<16xf32> to vector<16xf32>
    tpu.vector_store %arg6[%swap3A_199], %swap3A_202 {strides = array<i32>} : memref<624xf32, #tpu.memory_space<vmem>>, vector<16xf32>,
    %broadcast_in_dim3A_203 = arith.constant 0.000000e+00 : f32
    %broadcast_in_dim3A_204 = vector.broadcast %broadcast_in_dim3A_203 : f32 to vector<16xf32>
    %swap3A_205 = arith.constant 464 : index
    %swap3A_206 = tpu.vector_load %arg6[%swap3A_205] {strides = array<i32>} : memref<624xf32, #tpu.memory_space<vmem>>, vector<16xf32>,
    %swap3A_207 = vector.shape_cast %swap3A_206 : vector<16xf32> to vector<16xf32>
    %swap3A_208 = vector.shape_cast %broadcast_in_dim3A_204 : vector<16xf32> to vector<16xf32>
    tpu.vector_store %arg6[%swap3A_205], %swap3A_208 {strides = array<i32>} : memref<624xf32, #tpu.memory_space<vmem>>, vector<16xf32>,
    %broadcast_in_dim3A_209 = arith.constant 0.000000e+00 : f32
    %broadcast_in_dim3A_210 = vector.broadcast %broadcast_in_dim3A_209 : f32 to vector<16xf32>
    %swap3A_211 = arith.constant 480 : index
    %swap3A_212 = tpu.vector_load %arg6[%swap3A_211] {strides = array<i32>} : memref<624xf32, #tpu.memory_space<vmem>>, vector<16xf32>,
    %swap3A_213 = vector.shape_cast %swap3A_212 : vector<16xf32> to vector<16xf32>
    %swap3A_214 = vector.shape_cast %broadcast_in_dim3A_210 : vector<16xf32> to vector<16xf32>
    tpu.vector_store %arg6[%swap3A_211], %swap3A_214 {strides = array<i32>} : memref<624xf32, #tpu.memory_space<vmem>>, vector<16xf32>,
    %broadcast_in_dim3A_215 = arith.constant 0.000000e+00 : f32
    %broadcast_in_dim3A_216 = vector.broadcast %broadcast_in_dim3A_215 : f32 to vector<16xf32>
    %swap3A_217 = arith.constant 496 : index
    %swap3A_218 = tpu.vector_load %arg6[%swap3A_217] {strides = array<i32>} : memref<624xf32, #tpu.memory_space<vmem>>, vector<16xf32>,
    %swap3A_219 = vector.shape_cast %swap3A_218 : vector<16xf32> to vector<16xf32>
    %swap3A_220 = vector.shape_cast %broadcast_in_dim3A_216 : vector<16xf32> to vector<16xf32>
    tpu.vector_store %arg6[%swap3A_217], %swap3A_220 {strides = array<i32>} : memref<624xf32, #tpu.memory_space<vmem>>, vector<16xf32>,
    %broadcast_in_dim3A_221 = arith.constant 0.000000e+00 : f32
    %broadcast_in_dim3A_222 = vector.broadcast %broadcast_in_dim3A_221 : f32 to vector<16xf32>
    %swap3A_223 = arith.constant 512 : index
    %swap3A_224 = tpu.vector_load %arg6[%swap3A_223] {strides = array<i32>} : memref<624xf32, #tpu.memory_space<vmem>>, vector<16xf32>,
    %swap3A_225 = vector.shape_cast %swap3A_224 : vector<16xf32> to vector<16xf32>
    %swap3A_226 = vector.shape_cast %broadcast_in_dim3A_222 : vector<16xf32> to vector<16xf32>
    tpu.vector_store %arg6[%swap3A_223], %swap3A_226 {strides = array<i32>} : memref<624xf32, #tpu.memory_space<vmem>>, vector<16xf32>,
    %broadcast_in_dim3A_227 = arith.constant 0.000000e+00 : f32
    %broadcast_in_dim3A_228 = vector.broadcast %broadcast_in_dim3A_227 : f32 to vector<16xf32>
    %swap3A_229 = arith.constant 528 : index
    %swap3A_230 = tpu.vector_load %arg6[%swap3A_229] {strides = array<i32>} : memref<624xf32, #tpu.memory_space<vmem>>, vector<16xf32>,
    %swap3A_231 = vector.shape_cast %swap3A_230 : vector<16xf32> to vector<16xf32>
    %swap3A_232 = vector.shape_cast %broadcast_in_dim3A_228 : vector<16xf32> to vector<16xf32>
    tpu.vector_store %arg6[%swap3A_229], %swap3A_232 {strides = array<i32>} : memref<624xf32, #tpu.memory_space<vmem>>, vector<16xf32>,
    %broadcast_in_dim3A_233 = arith.constant 0.000000e+00 : f32
    %broadcast_in_dim3A_234 = vector.broadcast %broadcast_in_dim3A_233 : f32 to vector<16xf32>
    %swap3A_235 = arith.constant 544 : index
    %swap3A_236 = tpu.vector_load %arg6[%swap3A_235] {strides = array<i32>} : memref<624xf32, #tpu.memory_space<vmem>>, vector<16xf32>,
    %swap3A_237 = vector.shape_cast %swap3A_236 : vector<16xf32> to vector<16xf32>
    %swap3A_238 = vector.shape_cast %broadcast_in_dim3A_234 : vector<16xf32> to vector<16xf32>
    tpu.vector_store %arg6[%swap3A_235], %swap3A_238 {strides = array<i32>} : memref<624xf32, #tpu.memory_space<vmem>>, vector<16xf32>,
    %broadcast_in_dim3A_239 = arith.constant 0.000000e+00 : f32
    %broadcast_in_dim3A_240 = vector.broadcast %broadcast_in_dim3A_239 : f32 to vector<16xf32>
    %swap3A_241 = arith.constant 560 : index
    %swap3A_242 = tpu.vector_load %arg6[%swap3A_241] {strides = array<i32>} : memref<624xf32, #tpu.memory_space<vmem>>, vector<16xf32>,
    %swap3A_243 = vector.shape_cast %swap3A_242 : vector<16xf32> to vector<16xf32>
    %swap3A_244 = vector.shape_cast %broadcast_in_dim3A_240 : vector<16xf32> to vector<16xf32>
    tpu.vector_store %arg6[%swap3A_241], %swap3A_244 {strides = array<i32>} : memref<624xf32, #tpu.memory_space<vmem>>, vector<16xf32>,
    %broadcast_in_dim3A_245 = arith.constant 0.000000e+00 : f32
    %broadcast_in_dim3A_246 = vector.broadcast %broadcast_in_dim3A_245 : f32 to vector<16xf32>
    %swap3A_247 = arith.constant 576 : index
    %swap3A_248 = tpu.vector_load %arg6[%swap3A_247] {strides = array<i32>} : memref<624xf32, #tpu.memory_space<vmem>>, vector<16xf32>,
    %swap3A_249 = vector.shape_cast %swap3A_248 : vector<16xf32> to vector<16xf32>
    %swap3A_250 = vector.shape_cast %broadcast_in_dim3A_246 : vector<16xf32> to vector<16xf32>
    tpu.vector_store %arg6[%swap3A_247], %swap3A_250 {strides = array<i32>} : memref<624xf32, #tpu.memory_space<vmem>>, vector<16xf32>,
    %broadcast_in_dim3A_251 = arith.constant 0.000000e+00 : f32
    %broadcast_in_dim3A_252 = vector.broadcast %broadcast_in_dim3A_251 : f32 to vector<16xf32>
    %swap3A_253 = arith.constant 592 : index
    %swap3A_254 = tpu.vector_load %arg6[%swap3A_253] {strides = array<i32>} : memref<624xf32, #tpu.memory_space<vmem>>, vector<16xf32>,
    %swap3A_255 = vector.shape_cast %swap3A_254 : vector<16xf32> to vector<16xf32>
    %swap3A_256 = vector.shape_cast %broadcast_in_dim3A_252 : vector<16xf32> to vector<16xf32>
    tpu.vector_store %arg6[%swap3A_253], %swap3A_256 {strides = array<i32>} : memref<624xf32, #tpu.memory_space<vmem>>, vector<16xf32>,
    %broadcast_in_dim3A_257 = arith.constant 0.000000e+00 : f32
    %broadcast_in_dim3A_258 = vector.broadcast %broadcast_in_dim3A_257 : f32 to vector<16xf32>
    %swap3A_259 = arith.constant 608 : index
    %swap3A_260 = tpu.vector_load %arg6[%swap3A_259] {strides = array<i32>} : memref<624xf32, #tpu.memory_space<vmem>>, vector<16xf32>,
    %swap3A_261 = vector.shape_cast %swap3A_260 : vector<16xf32> to vector<16xf32>
    %swap3A_262 = vector.shape_cast %broadcast_in_dim3A_258 : vector<16xf32> to vector<16xf32>
    tpu.vector_store %arg6[%swap3A_259], %swap3A_262 {strides = array<i32>} : memref<624xf32, #tpu.memory_space<vmem>>, vector<16xf32>,
    %mul3A_263 = arith.constant 624 : i32
    %mul3A_264 = arith.muli %arg1, %mul3A_263 : i32
    %multiple_of3A = tpu.assume_multiple %mul3A_264, 8 : i32
    "tpu.region"() ({
      %run_scoped3A = tpu.sem_alloc : memref<!tpu.dma_semaphore, #tpu.memory_space<semaphore_mem>>
      %dma_start3A_375 = tpu.memref_slice %arg8[%multiple_of3A] : memref<10000xf32, #tpu.memory_space<vmem_shared>> -> memref<624xf32, #tpu.memory_space<vmem_shared>>
      %dma_start3A_376 = tpu.memref_slice %arg8[%multiple_of3A] : memref<10000xf32, #tpu.memory_space<vmem_shared>> -> memref<624xf32, #tpu.memory_space<vmem_shared>>
      tpu.enqueue_dma source(%arg6 : memref<624xf32, #tpu.memory_space<vmem>>) target(%dma_start3A_376 : memref<624xf32, #tpu.memory_space<vmem_shared>>) target_semaphore(%run_scoped3A : memref<!tpu.dma_semaphore, #tpu.memory_space<semaphore_mem>>)
      %dma_wait3A_377 = tpu.memref_slice %arg8[%multiple_of3A] : memref<10000xf32, #tpu.memory_space<vmem_shared>> -> memref<624xf32, #tpu.memory_space<vmem_shared>>
      %dma_wait3A_378 = tpu.memref_slice %arg8[%multiple_of3A] : memref<10000xf32, #tpu.memory_space<vmem_shared>> -> memref<624xf32, #tpu.memory_space<vmem_shared>>
      tpu.wait_dma2 semaphore(%run_scoped3A : memref<!tpu.dma_semaphore, #tpu.memory_space<semaphore_mem>>) src(%arg6 : memref<624xf32, #tpu.memory_space<vmem>>) dst(%dma_wait3A_378 : memref<624xf32, #tpu.memory_space<vmem_shared>>)
      tpu.yield
    }) : () -> ()
    %eq3A = arith.constant 15 : i32
    %eq3A_265 = arith.cmpi eq, %arg1, %eq3A : i32
    %convert_element_type3A = arith.extui %eq3A_265 : i1 to i32
    %cond3A = arith.constant 0 : i32
    %cond3A_266 = arith.cmpi ne, %convert_element_type3A, %cond3A : i32
    scf.if %cond3A_266 {
      "tpu.region"() ({
        %run_scoped3A = tpu.sem_alloc : memref<!tpu.dma_semaphore, #tpu.memory_space<semaphore_mem>>
        %dma_start3A_375 = arith.constant 0 : i32
        %dma_start3A_376 = tpu.memref_slice %arg6[%dma_start3A_375] : memref<624xf32, #tpu.memory_space<vmem>> -> memref<16xf32, #tpu.memory_space<vmem>>
        %dma_start3A_377 = arith.constant 9984 : i32
        %dma_start3A_378 = tpu.memref_slice %arg8[%dma_start3A_377] : memref<10000xf32, #tpu.memory_space<vmem_shared>> -> memref<16xf32, #tpu.memory_space<vmem_shared>>
        %dma_start3A_379 = arith.constant 9984 : i32
        %dma_start3A_380 = tpu.memref_slice %arg8[%dma_start3A_379] : memref<10000xf32, #tpu.memory_space<vmem_shared>> -> memref<16xf32, #tpu.memory_space<vmem_shared>>
        %dma_start3A_381 = arith.constant 0 : i32
        %dma_start3A_382 = tpu.memref_slice %arg6[%dma_start3A_381] : memref<624xf32, #tpu.memory_space<vmem>> -> memref<16xf32, #tpu.memory_space<vmem>>
        tpu.enqueue_dma source(%dma_start3A_382 : memref<16xf32, #tpu.memory_space<vmem>>) target(%dma_start3A_380 : memref<16xf32, #tpu.memory_space<vmem_shared>>) target_semaphore(%run_scoped3A : memref<!tpu.dma_semaphore, #tpu.memory_space<semaphore_mem>>)
        %dma_wait3A_383 = arith.constant 0 : i32
        %dma_wait3A_384 = tpu.memref_slice %arg6[%dma_wait3A_383] : memref<624xf32, #tpu.memory_space<vmem>> -> memref<16xf32, #tpu.memory_space<vmem>>
        %dma_wait3A_385 = arith.constant 9984 : i32
        %dma_wait3A_386 = tpu.memref_slice %arg8[%dma_wait3A_385] : memref<10000xf32, #tpu.memory_space<vmem_shared>> -> memref<16xf32, #tpu.memory_space<vmem_shared>>
        %dma_wait3A_387 = arith.constant 9984 : i32
        %dma_wait3A_388 = tpu.memref_slice %arg8[%dma_wait3A_387] : memref<10000xf32, #tpu.memory_space<vmem_shared>> -> memref<16xf32, #tpu.memory_space<vmem_shared>>
        %dma_wait3A_389 = arith.constant 0 : i32
        %dma_wait3A_390 = tpu.memref_slice %arg6[%dma_wait3A_389] : memref<624xf32, #tpu.memory_space<vmem>> -> memref<16xf32, #tpu.memory_space<vmem>>
        tpu.wait_dma2 semaphore(%run_scoped3A : memref<!tpu.dma_semaphore, #tpu.memory_space<semaphore_mem>>) src(%dma_wait3A_390 : memref<16xf32, #tpu.memory_space<vmem>>) dst(%dma_wait3A_388 : memref<16xf32, #tpu.memory_space<vmem_shared>>)
        tpu.yield
      }) : () -> ()
    } else {
    }
    %barrier3A = arith.constant 0 : index
    tpu.barrier barrier_id(%barrier3A)
    %dma_start3A = arith.constant 0 : i32
    %dma_start3A_267 = arith.constant 0 : i32
    %dma_start3A_268 = tpu.memref_slice %arg4[%dma_start3A, %dma_start3A_267] : memref<125x80xi32, #tpu.memory_space<vmem>> -> memref<1x80xi32, #tpu.memory_space<vmem>>
    %dma_start3A_269 = tpu.memref_squeeze %dma_start3A_268 : memref<1x80xi32, #tpu.memory_space<vmem>> -> memref<80xi32, #tpu.memory_space<vmem>>
    %dma_start3A_270 = arith.constant 0 : i32
    %dma_start3A_271 = tpu.memref_slice %arg8[%dma_start3A_270] : memref<10000xf32, #tpu.memory_space<vmem_shared>> -> memref<10000xf32, #tpu.memory_space<vmem_shared>>
    tpu.enqueue_indirect_dma source(%arg5 : memref<80xf32, #tpu.memory_space<vmem>>) target(%dma_start3A_271 : memref<10000xf32, #tpu.memory_space<vmem_shared>>) offsets(%dma_start3A_269 : memref<80xi32, #tpu.memory_space<vmem>>) semaphore(%arg7 : memref<!tpu.dma_semaphore, #tpu.memory_space<semaphore_mem>>) {add = true}
    %dma_start3A_272 = arith.constant 1 : i32
    %dma_start3A_273 = arith.constant 0 : i32
    %dma_start3A_274 = tpu.memref_slice %arg4[%dma_start3A_272, %dma_start3A_273] : memref<125x80xi32, #tpu.memory_space<vmem>> -> memref<1x80xi32, #tpu.memory_space<vmem>>
    %dma_start3A_275 = tpu.memref_squeeze %dma_start3A_274 : memref<1x80xi32, #tpu.memory_space<vmem>> -> memref<80xi32, #tpu.memory_space<vmem>>
    %dma_start3A_276 = arith.constant 0 : i32
    %dma_start3A_277 = tpu.memref_slice %arg8[%dma_start3A_276] : memref<10000xf32, #tpu.memory_space<vmem_shared>> -> memref<10000xf32, #tpu.memory_space<vmem_shared>>
    tpu.enqueue_indirect_dma source(%arg5 : memref<80xf32, #tpu.memory_space<vmem>>) target(%dma_start3A_277 : memref<10000xf32, #tpu.memory_space<vmem_shared>>) offsets(%dma_start3A_275 : memref<80xi32, #tpu.memory_space<vmem>>) semaphore(%arg7 : memref<!tpu.dma_semaphore, #tpu.memory_space<semaphore_mem>>) {add = true}
    %dma_start3A_278 = arith.constant 2 : i32
    %dma_start3A_279 = arith.constant 0 : i32
    %dma_start3A_280 = tpu.memref_slice %arg4[%dma_start3A_278, %dma_start3A_279] : memref<125x80xi32, #tpu.memory_space<vmem>> -> memref<1x80xi32, #tpu.memory_space<vmem>>
    %dma_start3A_281 = tpu.memref_squeeze %dma_start3A_280 : memref<1x80xi32, #tpu.memory_space<vmem>> -> memref<80xi32, #tpu.memory_space<vmem>>
    %dma_start3A_282 = arith.constant 0 : i32
    %dma_start3A_283 = tpu.memref_slice %arg8[%dma_start3A_282] : memref<10000xf32, #tpu.memory_space<vmem_shared>> -> memref<10000xf32, #tpu.memory_space<vmem_shared>>
    tpu.enqueue_indirect_dma source(%arg5 : memref<80xf32, #tpu.memory_space<vmem>>) target(%dma_start3A_283 : memref<10000xf32, #tpu.memory_space<vmem_shared>>) offsets(%dma_start3A_281 : memref<80xi32, #tpu.memory_space<vmem>>) semaphore(%arg7 : memref<!tpu.dma_semaphore, #tpu.memory_space<semaphore_mem>>) {add = true}
    %dma_start3A_284 = arith.constant 3 : i32
    %dma_start3A_285 = arith.constant 0 : i32
    %dma_start3A_286 = tpu.memref_slice %arg4[%dma_start3A_284, %dma_start3A_285] : memref<125x80xi32, #tpu.memory_space<vmem>> -> memref<1x80xi32, #tpu.memory_space<vmem>>
    %dma_start3A_287 = tpu.memref_squeeze %dma_start3A_286 : memref<1x80xi32, #tpu.memory_space<vmem>> -> memref<80xi32, #tpu.memory_space<vmem>>
    %dma_start3A_288 = arith.constant 0 : i32
    %dma_start3A_289 = tpu.memref_slice %arg8[%dma_start3A_288] : memref<10000xf32, #tpu.memory_space<vmem_shared>> -> memref<10000xf32, #tpu.memory_space<vmem_shared>>
    tpu.enqueue_indirect_dma source(%arg5 : memref<80xf32, #tpu.memory_space<vmem>>) target(%dma_start3A_289 : memref<10000xf32, #tpu.memory_space<vmem_shared>>) offsets(%dma_start3A_287 : memref<80xi32, #tpu.memory_space<vmem>>) semaphore(%arg7 : memref<!tpu.dma_semaphore, #tpu.memory_space<semaphore_mem>>) {add = true}
    %dma_start3A_290 = arith.constant 4 : i32
    %dma_start3A_291 = arith.constant 0 : i32
    %dma_start3A_292 = tpu.memref_slice %arg4[%dma_start3A_290, %dma_start3A_291] : memref<125x80xi32, #tpu.memory_space<vmem>> -> memref<1x80xi32, #tpu.memory_space<vmem>>
    %dma_start3A_293 = tpu.memref_squeeze %dma_start3A_292 : memref<1x80xi32, #tpu.memory_space<vmem>> -> memref<80xi32, #tpu.memory_space<vmem>>
    %dma_start3A_294 = arith.constant 0 : i32
    %dma_start3A_295 = tpu.memref_slice %arg8[%dma_start3A_294] : memref<10000xf32, #tpu.memory_space<vmem_shared>> -> memref<10000xf32, #tpu.memory_space<vmem_shared>>
    tpu.enqueue_indirect_dma source(%arg5 : memref<80xf32, #tpu.memory_space<vmem>>) target(%dma_start3A_295 : memref<10000xf32, #tpu.memory_space<vmem_shared>>) offsets(%dma_start3A_293 : memref<80xi32, #tpu.memory_space<vmem>>) semaphore(%arg7 : memref<!tpu.dma_semaphore, #tpu.memory_space<semaphore_mem>>) {add = true}
    %dma_start3A_296 = arith.constant 5 : i32
    %dma_start3A_297 = arith.constant 0 : i32
    %dma_start3A_298 = tpu.memref_slice %arg4[%dma_start3A_296, %dma_start3A_297] : memref<125x80xi32, #tpu.memory_space<vmem>> -> memref<1x80xi32, #tpu.memory_space<vmem>>
    %dma_start3A_299 = tpu.memref_squeeze %dma_start3A_298 : memref<1x80xi32, #tpu.memory_space<vmem>> -> memref<80xi32, #tpu.memory_space<vmem>>
    %dma_start3A_300 = arith.constant 0 : i32
    %dma_start3A_301 = tpu.memref_slice %arg8[%dma_start3A_300] : memref<10000xf32, #tpu.memory_space<vmem_shared>> -> memref<10000xf32, #tpu.memory_space<vmem_shared>>
    tpu.enqueue_indirect_dma source(%arg5 : memref<80xf32, #tpu.memory_space<vmem>>) target(%dma_start3A_301 : memref<10000xf32, #tpu.memory_space<vmem_shared>>) offsets(%dma_start3A_299 : memref<80xi32, #tpu.memory_space<vmem>>) semaphore(%arg7 : memref<!tpu.dma_semaphore, #tpu.memory_space<semaphore_mem>>) {add = true}
    %dma_start3A_302 = arith.constant 6 : i32
    %dma_start3A_303 = arith.constant 0 : i32
    %dma_start3A_304 = tpu.memref_slice %arg4[%dma_start3A_302, %dma_start3A_303] : memref<125x80xi32, #tpu.memory_space<vmem>> -> memref<1x80xi32, #tpu.memory_space<vmem>>
    %dma_start3A_305 = tpu.memref_squeeze %dma_start3A_304 : memref<1x80xi32, #tpu.memory_space<vmem>> -> memref<80xi32, #tpu.memory_space<vmem>>
    %dma_start3A_306 = arith.constant 0 : i32
    %dma_start3A_307 = tpu.memref_slice %arg8[%dma_start3A_306] : memref<10000xf32, #tpu.memory_space<vmem_shared>> -> memref<10000xf32, #tpu.memory_space<vmem_shared>>
    tpu.enqueue_indirect_dma source(%arg5 : memref<80xf32, #tpu.memory_space<vmem>>) target(%dma_start3A_307 : memref<10000xf32, #tpu.memory_space<vmem_shared>>) offsets(%dma_start3A_305 : memref<80xi32, #tpu.memory_space<vmem>>) semaphore(%arg7 : memref<!tpu.dma_semaphore, #tpu.memory_space<semaphore_mem>>) {add = true}
    %dma_start3A_308 = arith.constant 7 : i32
    %dma_start3A_309 = arith.constant 0 : i32
    %dma_start3A_310 = tpu.memref_slice %arg4[%dma_start3A_308, %dma_start3A_309] : memref<125x80xi32, #tpu.memory_space<vmem>> -> memref<1x80xi32, #tpu.memory_space<vmem>>
    %dma_start3A_311 = tpu.memref_squeeze %dma_start3A_310 : memref<1x80xi32, #tpu.memory_space<vmem>> -> memref<80xi32, #tpu.memory_space<vmem>>
    %dma_start3A_312 = arith.constant 0 : i32
    %dma_start3A_313 = tpu.memref_slice %arg8[%dma_start3A_312] : memref<10000xf32, #tpu.memory_space<vmem_shared>> -> memref<10000xf32, #tpu.memory_space<vmem_shared>>
    tpu.enqueue_indirect_dma source(%arg5 : memref<80xf32, #tpu.memory_space<vmem>>) target(%dma_start3A_313 : memref<10000xf32, #tpu.memory_space<vmem_shared>>) offsets(%dma_start3A_311 : memref<80xi32, #tpu.memory_space<vmem>>) semaphore(%arg7 : memref<!tpu.dma_semaphore, #tpu.memory_space<semaphore_mem>>) {add = true}
    %scan3A = arith.constant 0 : i32
    %scan3A_314 = arith.constant 0 : i32
    %scan3A_315 = arith.constant 117 : i32
    %scan3A_316 = arith.addi %scan3A_314, %scan3A_315 : i32
    %scan3A_317 = arith.constant 1 : i32
    scf.for %scan3A_375 = %scan3A_314 to %scan3A_316 step %scan3A_317  : i32 {
      %dma_wait3A_376 = arith.constant 0 : i32
      %dma_wait3A_377 = tpu.memref_slice %arg4[%scan3A_375, %dma_wait3A_376] : memref<125x80xi32, #tpu.memory_space<vmem>> -> memref<1x80xi32, #tpu.memory_space<vmem>>
      %dma_wait3A_378 = tpu.memref_squeeze %dma_wait3A_377 : memref<1x80xi32, #tpu.memory_space<vmem>> -> memref<80xi32, #tpu.memory_space<vmem>>
      %dma_wait3A_379 = arith.constant 0 : i32
      %dma_wait3A_380 = tpu.memref_slice %arg8[%dma_wait3A_379] : memref<10000xf32, #tpu.memory_space<vmem_shared>> -> memref<10000xf32, #tpu.memory_space<vmem_shared>>
      tpu.wait_indirect_dma semaphore(%arg7 : memref<!tpu.dma_semaphore, #tpu.memory_space<semaphore_mem>>) src(%arg5 : memref<80xf32, #tpu.memory_space<vmem>>) dst(%dma_wait3A_380 : memref<10000xf32, #tpu.memory_space<vmem_shared>>)
      %add3A_381 = arith.constant 8 : i32
      %add3A_382 = arith.addi %scan3A_375, %add3A_381 : i32
      %dma_start3A_383 = arith.constant 0 : i32
      %dma_start3A_384 = tpu.memref_slice %arg4[%add3A_382, %dma_start3A_383] : memref<125x80xi32, #tpu.memory_space<vmem>> -> memref<1x80xi32, #tpu.memory_space<vmem>>
      %dma_start3A_385 = tpu.memref_squeeze %dma_start3A_384 : memref<1x80xi32, #tpu.memory_space<vmem>> -> memref<80xi32, #tpu.memory_space<vmem>>
      %dma_start3A_386 = arith.constant 0 : i32
      %dma_start3A_387 = tpu.memref_slice %arg8[%dma_start3A_386] : memref<10000xf32, #tpu.memory_space<vmem_shared>> -> memref<10000xf32, #tpu.memory_space<vmem_shared>>
      tpu.enqueue_indirect_dma source(%arg5 : memref<80xf32, #tpu.memory_space<vmem>>) target(%dma_start3A_387 : memref<10000xf32, #tpu.memory_space<vmem_shared>>) offsets(%dma_start3A_385 : memref<80xi32, #tpu.memory_space<vmem>>) semaphore(%arg7 : memref<!tpu.dma_semaphore, #tpu.memory_space<semaphore_mem>>) {add = true}
    }
    %scan3A_318 = arith.constant 117 : i32
    %dma_wait3A = arith.constant 117 : i32
    %dma_wait3A_319 = arith.constant 0 : i32
    %dma_wait3A_320 = tpu.memref_slice %arg4[%dma_wait3A, %dma_wait3A_319] : memref<125x80xi32, #tpu.memory_space<vmem>> -> memref<1x80xi32, #tpu.memory_space<vmem>>
    %dma_wait3A_321 = tpu.memref_squeeze %dma_wait3A_320 : memref<1x80xi32, #tpu.memory_space<vmem>> -> memref<80xi32, #tpu.memory_space<vmem>>
    %dma_wait3A_322 = arith.constant 0 : i32
    %dma_wait3A_323 = tpu.memref_slice %arg8[%dma_wait3A_322] : memref<10000xf32, #tpu.memory_space<vmem_shared>> -> memref<10000xf32, #tpu.memory_space<vmem_shared>>
    tpu.wait_indirect_dma semaphore(%arg7 : memref<!tpu.dma_semaphore, #tpu.memory_space<semaphore_mem>>) src(%arg5 : memref<80xf32, #tpu.memory_space<vmem>>) dst(%dma_wait3A_323 : memref<10000xf32, #tpu.memory_space<vmem_shared>>)
    %dma_wait3A_324 = arith.constant 118 : i32
    %dma_wait3A_325 = arith.constant 0 : i32
    %dma_wait3A_326 = tpu.memref_slice %arg4[%dma_wait3A_324, %dma_wait3A_325] : memref<125x80xi32, #tpu.memory_space<vmem>> -> memref<1x80xi32, #tpu.memory_space<vmem>>
    %dma_wait3A_327 = tpu.memref_squeeze %dma_wait3A_326 : memref<1x80xi32, #tpu.memory_space<vmem>> -> memref<80xi32, #tpu.memory_space<vmem>>
    %dma_wait3A_328 = arith.constant 0 : i32
    %dma_wait3A_329 = tpu.memref_slice %arg8[%dma_wait3A_328] : memref<10000xf32, #tpu.memory_space<vmem_shared>> -> memref<10000xf32, #tpu.memory_space<vmem_shared>>
    tpu.wait_indirect_dma semaphore(%arg7 : memref<!tpu.dma_semaphore, #tpu.memory_space<semaphore_mem>>) src(%arg5 : memref<80xf32, #tpu.memory_space<vmem>>) dst(%dma_wait3A_329 : memref<10000xf32, #tpu.memory_space<vmem_shared>>)
    %dma_wait3A_330 = arith.constant 119 : i32
    %dma_wait3A_331 = arith.constant 0 : i32
    %dma_wait3A_332 = tpu.memref_slice %arg4[%dma_wait3A_330, %dma_wait3A_331] : memref<125x80xi32, #tpu.memory_space<vmem>> -> memref<1x80xi32, #tpu.memory_space<vmem>>
    %dma_wait3A_333 = tpu.memref_squeeze %dma_wait3A_332 : memref<1x80xi32, #tpu.memory_space<vmem>> -> memref<80xi32, #tpu.memory_space<vmem>>
    %dma_wait3A_334 = arith.constant 0 : i32
    %dma_wait3A_335 = tpu.memref_slice %arg8[%dma_wait3A_334] : memref<10000xf32, #tpu.memory_space<vmem_shared>> -> memref<10000xf32, #tpu.memory_space<vmem_shared>>
    tpu.wait_indirect_dma semaphore(%arg7 : memref<!tpu.dma_semaphore, #tpu.memory_space<semaphore_mem>>) src(%arg5 : memref<80xf32, #tpu.memory_space<vmem>>) dst(%dma_wait3A_335 : memref<10000xf32, #tpu.memory_space<vmem_shared>>)
    %dma_wait3A_336 = arith.constant 120 : i32
    %dma_wait3A_337 = arith.constant 0 : i32
    %dma_wait3A_338 = tpu.memref_slice %arg4[%dma_wait3A_336, %dma_wait3A_337] : memref<125x80xi32, #tpu.memory_space<vmem>> -> memref<1x80xi32, #tpu.memory_space<vmem>>
    %dma_wait3A_339 = tpu.memref_squeeze %dma_wait3A_338 : memref<1x80xi32, #tpu.memory_space<vmem>> -> memref<80xi32, #tpu.memory_space<vmem>>
    %dma_wait3A_340 = arith.constant 0 : i32
    %dma_wait3A_341 = tpu.memref_slice %arg8[%dma_wait3A_340] : memref<10000xf32, #tpu.memory_space<vmem_shared>> -> memref<10000xf32, #tpu.memory_space<vmem_shared>>
    tpu.wait_indirect_dma semaphore(%arg7 : memref<!tpu.dma_semaphore, #tpu.memory_space<semaphore_mem>>) src(%arg5 : memref<80xf32, #tpu.memory_space<vmem>>) dst(%dma_wait3A_341 : memref<10000xf32, #tpu.memory_space<vmem_shared>>)
    %dma_wait3A_342 = arith.constant 121 : i32
    %dma_wait3A_343 = arith.constant 0 : i32
    %dma_wait3A_344 = tpu.memref_slice %arg4[%dma_wait3A_342, %dma_wait3A_343] : memref<125x80xi32, #tpu.memory_space<vmem>> -> memref<1x80xi32, #tpu.memory_space<vmem>>
    %dma_wait3A_345 = tpu.memref_squeeze %dma_wait3A_344 : memref<1x80xi32, #tpu.memory_space<vmem>> -> memref<80xi32, #tpu.memory_space<vmem>>
    %dma_wait3A_346 = arith.constant 0 : i32
    %dma_wait3A_347 = tpu.memref_slice %arg8[%dma_wait3A_346] : memref<10000xf32, #tpu.memory_space<vmem_shared>> -> memref<10000xf32, #tpu.memory_space<vmem_shared>>
    tpu.wait_indirect_dma semaphore(%arg7 : memref<!tpu.dma_semaphore, #tpu.memory_space<semaphore_mem>>) src(%arg5 : memref<80xf32, #tpu.memory_space<vmem>>) dst(%dma_wait3A_347 : memref<10000xf32, #tpu.memory_space<vmem_shared>>)
    %dma_wait3A_348 = arith.constant 122 : i32
    %dma_wait3A_349 = arith.constant 0 : i32
    %dma_wait3A_350 = tpu.memref_slice %arg4[%dma_wait3A_348, %dma_wait3A_349] : memref<125x80xi32, #tpu.memory_space<vmem>> -> memref<1x80xi32, #tpu.memory_space<vmem>>
    %dma_wait3A_351 = tpu.memref_squeeze %dma_wait3A_350 : memref<1x80xi32, #tpu.memory_space<vmem>> -> memref<80xi32, #tpu.memory_space<vmem>>
    %dma_wait3A_352 = arith.constant 0 : i32
    %dma_wait3A_353 = tpu.memref_slice %arg8[%dma_wait3A_352] : memref<10000xf32, #tpu.memory_space<vmem_shared>> -> memref<10000xf32, #tpu.memory_space<vmem_shared>>
    tpu.wait_indirect_dma semaphore(%arg7 : memref<!tpu.dma_semaphore, #tpu.memory_space<semaphore_mem>>) src(%arg5 : memref<80xf32, #tpu.memory_space<vmem>>) dst(%dma_wait3A_353 : memref<10000xf32, #tpu.memory_space<vmem_shared>>)
    %dma_wait3A_354 = arith.constant 123 : i32
    %dma_wait3A_355 = arith.constant 0 : i32
    %dma_wait3A_356 = tpu.memref_slice %arg4[%dma_wait3A_354, %dma_wait3A_355] : memref<125x80xi32, #tpu.memory_space<vmem>> -> memref<1x80xi32, #tpu.memory_space<vmem>>
    %dma_wait3A_357 = tpu.memref_squeeze %dma_wait3A_356 : memref<1x80xi32, #tpu.memory_space<vmem>> -> memref<80xi32, #tpu.memory_space<vmem>>
    %dma_wait3A_358 = arith.constant 0 : i32
    %dma_wait3A_359 = tpu.memref_slice %arg8[%dma_wait3A_358] : memref<10000xf32, #tpu.memory_space<vmem_shared>> -> memref<10000xf32, #tpu.memory_space<vmem_shared>>
    tpu.wait_indirect_dma semaphore(%arg7 : memref<!tpu.dma_semaphore, #tpu.memory_space<semaphore_mem>>) src(%arg5 : memref<80xf32, #tpu.memory_space<vmem>>) dst(%dma_wait3A_359 : memref<10000xf32, #tpu.memory_space<vmem_shared>>)
    %dma_wait3A_360 = arith.constant 124 : i32
    %dma_wait3A_361 = arith.constant 0 : i32
    %dma_wait3A_362 = tpu.memref_slice %arg4[%dma_wait3A_360, %dma_wait3A_361] : memref<125x80xi32, #tpu.memory_space<vmem>> -> memref<1x80xi32, #tpu.memory_space<vmem>>
    %dma_wait3A_363 = tpu.memref_squeeze %dma_wait3A_362 : memref<1x80xi32, #tpu.memory_space<vmem>> -> memref<80xi32, #tpu.memory_space<vmem>>
    %dma_wait3A_364 = arith.constant 0 : i32
    %dma_wait3A_365 = tpu.memref_slice %arg8[%dma_wait3A_364] : memref<10000xf32, #tpu.memory_space<vmem_shared>> -> memref<10000xf32, #tpu.memory_space<vmem_shared>>
    tpu.wait_indirect_dma semaphore(%arg7 : memref<!tpu.dma_semaphore, #tpu.memory_space<semaphore_mem>>) src(%arg5 : memref<80xf32, #tpu.memory_space<vmem>>) dst(%dma_wait3A_365 : memref<10000xf32, #tpu.memory_space<vmem_shared>>)
    %barrier3A_366 = arith.constant 0 : index
    tpu.barrier barrier_id(%barrier3A_366)
    "tpu.region"() ({
      %run_scoped3A = tpu.sem_alloc : memref<!tpu.dma_semaphore, #tpu.memory_space<semaphore_mem>>
      %dma_start3A_375 = tpu.memref_slice %arg8[%multiple_of3A] : memref<10000xf32, #tpu.memory_space<vmem_shared>> -> memref<624xf32, #tpu.memory_space<vmem_shared>>
      %dma_start3A_376 = tpu.memref_slice %arg8[%multiple_of3A] : memref<10000xf32, #tpu.memory_space<vmem_shared>> -> memref<624xf32, #tpu.memory_space<vmem_shared>>
      tpu.enqueue_dma source(%dma_start3A_376 : memref<624xf32, #tpu.memory_space<vmem_shared>>) target(%arg6 : memref<624xf32, #tpu.memory_space<vmem>>) target_semaphore(%run_scoped3A : memref<!tpu.dma_semaphore, #tpu.memory_space<semaphore_mem>>)
      %dma_wait3A_377 = tpu.memref_slice %arg8[%multiple_of3A] : memref<10000xf32, #tpu.memory_space<vmem_shared>> -> memref<624xf32, #tpu.memory_space<vmem_shared>>
      %dma_wait3A_378 = tpu.memref_slice %arg8[%multiple_of3A] : memref<10000xf32, #tpu.memory_space<vmem_shared>> -> memref<624xf32, #tpu.memory_space<vmem_shared>>
      tpu.wait_dma2 semaphore(%run_scoped3A : memref<!tpu.dma_semaphore, #tpu.memory_space<semaphore_mem>>) src(%dma_wait3A_378 : memref<624xf32, #tpu.memory_space<vmem_shared>>) dst(%arg6 : memref<624xf32, #tpu.memory_space<vmem>>)
      tpu.yield
    }) : () -> ()
    %mul3A_367 = arith.constant 10000 : i32
    %mul3A_368 = arith.muli %arg0, %mul3A_367 : i32
    %add3A_369 = arith.addi %mul3A_368, %multiple_of3A : i32
    "tpu.region"() ({
      %run_scoped3A = tpu.sem_alloc : memref<!tpu.dma_semaphore, #tpu.memory_space<semaphore_mem>>
      %dma_start3A_375 = tpu.memref_slice %arg3[%add3A_369] : memref<20000xf32, #tpu.memory_space<hbm>> -> memref<624xf32, #tpu.memory_space<hbm>>
      %dma_start3A_376 = tpu.memref_slice %arg3[%add3A_369] : memref<20000xf32, #tpu.memory_space<hbm>> -> memref<624xf32, #tpu.memory_space<hbm>>
      tpu.enqueue_dma source(%arg6 : memref<624xf32, #tpu.memory_space<vmem>>) target(%dma_start3A_376 : memref<624xf32, #tpu.memory_space<hbm>>) target_semaphore(%run_scoped3A : memref<!tpu.dma_semaphore, #tpu.memory_space<semaphore_mem>>)
      %dma_wait3A_377 = tpu.memref_slice %arg3[%add3A_369] : memref<20000xf32, #tpu.memory_space<hbm>> -> memref<624xf32, #tpu.memory_space<hbm>>
      %dma_wait3A_378 = tpu.memref_slice %arg3[%add3A_369] : memref<20000xf32, #tpu.memory_space<hbm>> -> memref<624xf32, #tpu.memory_space<hbm>>
      tpu.wait_dma2 semaphore(%run_scoped3A : memref<!tpu.dma_semaphore, #tpu.memory_space<semaphore_mem>>) src(%arg6 : memref<624xf32, #tpu.memory_space<vmem>>) dst(%dma_wait3A_378 : memref<624xf32, #tpu.memory_space<hbm>>)
      tpu.yield
    }) : () -> ()
    %eq3A_370 = arith.constant 15 : i32
    %eq3A_371 = arith.cmpi eq, %arg1, %eq3A_370 : i32
    %convert_element_type3A_372 = arith.extui %eq3A_371 : i1 to i32
    %cond3A_373 = arith.constant 0 : i32
    %cond3A_374 = arith.cmpi ne, %convert_element_type3A_372, %cond3A_373 : i32
    scf.if %cond3A_374 {
      "tpu.region"() ({
        %run_scoped3A = tpu.sem_alloc : memref<!tpu.dma_semaphore, #tpu.memory_space<semaphore_mem>>
        %dma_start3A_379 = arith.constant 0 : i32
        %dma_start3A_380 = tpu.memref_slice %arg6[%dma_start3A_379] : memref<624xf32, #tpu.memory_space<vmem>> -> memref<16xf32, #tpu.memory_space<vmem>>
        %dma_start3A_381 = arith.constant 9984 : i32
        %dma_start3A_382 = tpu.memref_slice %arg8[%dma_start3A_381] : memref<10000xf32, #tpu.memory_space<vmem_shared>> -> memref<16xf32, #tpu.memory_space<vmem_shared>>
        %dma_start3A_383 = arith.constant 0 : i32
        %dma_start3A_384 = tpu.memref_slice %arg6[%dma_start3A_383] : memref<624xf32, #tpu.memory_space<vmem>> -> memref<16xf32, #tpu.memory_space<vmem>>
        %dma_start3A_385 = arith.constant 9984 : i32
        %dma_start3A_386 = tpu.memref_slice %arg8[%dma_start3A_385] : memref<10000xf32, #tpu.memory_space<vmem_shared>> -> memref<16xf32, #tpu.memory_space<vmem_shared>>
        tpu.enqueue_dma source(%dma_start3A_386 : memref<16xf32, #tpu.memory_space<vmem_shared>>) target(%dma_start3A_384 : memref<16xf32, #tpu.memory_space<vmem>>) target_semaphore(%run_scoped3A : memref<!tpu.dma_semaphore, #tpu.memory_space<semaphore_mem>>)
        %dma_wait3A_387 = arith.constant 0 : i32
        %dma_wait3A_388 = tpu.memref_slice %arg6[%dma_wait3A_387] : memref<624xf32, #tpu.memory_space<vmem>> -> memref<16xf32, #tpu.memory_space<vmem>>
        %dma_wait3A_389 = arith.constant 9984 : i32
        %dma_wait3A_390 = tpu.memref_slice %arg8[%dma_wait3A_389] : memref<10000xf32, #tpu.memory_space<vmem_shared>> -> memref<16xf32, #tpu.memory_space<vmem_shared>>
        %dma_wait3A_391 = arith.constant 0 : i32
        %dma_wait3A_392 = tpu.memref_slice %arg6[%dma_wait3A_391] : memref<624xf32, #tpu.memory_space<vmem>> -> memref<16xf32, #tpu.memory_space<vmem>>
        %dma_wait3A_393 = arith.constant 9984 : i32
        %dma_wait3A_394 = tpu.memref_slice %arg8[%dma_wait3A_393] : memref<10000xf32, #tpu.memory_space<vmem_shared>> -> memref<16xf32, #tpu.memory_space<vmem_shared>>
        tpu.wait_dma2 semaphore(%run_scoped3A : memref<!tpu.dma_semaphore, #tpu.memory_space<semaphore_mem>>) src(%dma_wait3A_394 : memref<16xf32, #tpu.memory_space<vmem_shared>>) dst(%dma_wait3A_392 : memref<16xf32, #tpu.memory_space<vmem>>)
        tpu.yield
      }) : () -> ()
      %mul3A_375 = arith.constant 10000 : i32
      %mul3A_376 = arith.muli %arg0, %mul3A_375 : i32
      %add3A_377 = arith.constant 9984 : i32
      %add3A_378 = arith.addi %mul3A_376, %add3A_377 : i32
      "tpu.region"() ({
        %run_scoped3A = tpu.sem_alloc : memref<!tpu.dma_semaphore, #tpu.memory_space<semaphore_mem>>
        %dma_start3A_379 = arith.constant 0 : i32
        %dma_start3A_380 = tpu.memref_slice %arg6[%dma_start3A_379] : memref<624xf32, #tpu.memory_space<vmem>> -> memref<16xf32, #tpu.memory_space<vmem>>
        %dma_start3A_381 = tpu.memref_slice %arg3[%add3A_378] : memref<20000xf32, #tpu.memory_space<hbm>> -> memref<16xf32, #tpu.memory_space<hbm>>
        %dma_start3A_382 = tpu.memref_slice %arg3[%add3A_378] : memref<20000xf32, #tpu.memory_space<hbm>> -> memref<16xf32, #tpu.memory_space<hbm>>
        %dma_start3A_383 = arith.constant 0 : i32
        %dma_start3A_384 = tpu.memref_slice %arg6[%dma_start3A_383] : memref<624xf32, #tpu.memory_space<vmem>> -> memref<16xf32, #tpu.memory_space<vmem>>
        tpu.enqueue_dma source(%dma_start3A_384 : memref<16xf32, #tpu.memory_space<vmem>>) target(%dma_start3A_382 : memref<16xf32, #tpu.memory_space<hbm>>) target_semaphore(%run_scoped3A : memref<!tpu.dma_semaphore, #tpu.memory_space<semaphore_mem>>)
        %dma_wait3A_385 = arith.constant 0 : i32
        %dma_wait3A_386 = tpu.memref_slice %arg6[%dma_wait3A_385] : memref<624xf32, #tpu.memory_space<vmem>> -> memref<16xf32, #tpu.memory_space<vmem>>
        %dma_wait3A_387 = tpu.memref_slice %arg3[%add3A_378] : memref<20000xf32, #tpu.memory_space<hbm>> -> memref<16xf32, #tpu.memory_space<hbm>>
        %dma_wait3A_388 = tpu.memref_slice %arg3[%add3A_378] : memref<20000xf32, #tpu.memory_space<hbm>> -> memref<16xf32, #tpu.memory_space<hbm>>
        %dma_wait3A_389 = arith.constant 0 : i32
        %dma_wait3A_390 = tpu.memref_slice %arg6[%dma_wait3A_389] : memref<624xf32, #tpu.memory_space<vmem>> -> memref<16xf32, #tpu.memory_space<vmem>>
        tpu.wait_dma2 semaphore(%run_scoped3A : memref<!tpu.dma_semaphore, #tpu.memory_space<semaphore_mem>>) src(%dma_wait3A_390 : memref<16xf32, #tpu.memory_space<vmem>>) dst(%dma_wait3A_388 : memref<16xf32, #tpu.memory_space<hbm>>)
        tpu.yield
      }) : () -> ()
    } else {
    }
    return
  }
}

module attributes {stable_mosaic.version = 14 : i64} {
  func.func @_prep_kernel(%arg0: i32, %arg1: memref<400x128xf32, #tpu.memory_space<vmem>>, %arg2: memref<128x128xf32, #tpu.memory_space<vmem>>, %arg3: memref<400x1xf32, #tpu.memory_space<vmem>>, %arg4: memref<400x1xf32, #tpu.memory_space<vmem>>, %arg5: memref<400x128xf32, #tpu.memory_space<vmem>>, %arg6: memref<400x1xf32, #tpu.memory_space<vmem>>) attributes {dimension_semantics = [#tpu.dimension_semantics<arbitrary>], iteration_bounds = array<i64: 25>, scalar_prefetch = 0 : i64, scratch_operands = 0 : i64, tpu.core_type = #tpu.core_type<tc>, window_params = [{transform_indices = @transform_0, window_bounds = array<i64: 400, 128>}, {pipeline_mode = #tpu.pipeline_mode<synchronous>, transform_indices = @transform_1, window_bounds = array<i64: 128, 128>}, {transform_indices = @transform_2, window_bounds = array<i64: 400, 1>}, {transform_indices = @transform_3, window_bounds = array<i64: 400, 1>}, {transform_indices = @transform_4, window_bounds = array<i64: 400, 128>}, {transform_indices = @transform_5, window_bounds = array<i64: 400, 1>}]} {
    %get3A = arith.constant 0 : index
    %get3A_0 = arith.constant 0 : index
    %get3A_1 = vector.load %arg1[%get3A, %get3A_0] : memref<400x128xf32, #tpu.memory_space<vmem>>, vector<400x128xf32>
    %get3A_2 = arith.constant 0 : index
    %get3A_3 = arith.constant 0 : index
    %get3A_4 = vector.load %arg2[%get3A_2, %get3A_3] : memref<128x128xf32, #tpu.memory_space<vmem>>, vector<128x128xf32>
    %dot_general3A = arith.constant dense<0.000000e+00> : vector<400x128xf32>
    %dot_general3A_5 = tpu.matmul %get3A_1, %get3A_4, %dot_general3A {dimension_numbers = #tpu.dot_dimension_numbers<[1], [0], [0], [1], [0, 0, 1, 1], [], []>, transpose_lhs_hint = false} : vector<400x128xf32>, vector<128x128xf32>, vector<400x128xf32> -> vector<400x128xf32>
    %get3A_6 = arith.constant 0 : index
    %get3A_7 = arith.constant 0 : index
    %get3A_8 = vector.load %arg3[%get3A_6, %get3A_7] : memref<400x1xf32, #tpu.memory_space<vmem>>, vector<400x1xf32>
    %get3A_9 = arith.constant 0 : index
    %get3A_10 = arith.constant 0 : index
    %get3A_11 = vector.load %arg4[%get3A_9, %get3A_10] : memref<400x1xf32, #tpu.memory_space<vmem>>, vector<400x1xf32>
    %add3A = arith.addf %get3A_8, %get3A_11 : vector<400x1xf32>
    %add3A_12 = arith.constant 1.000000e+00 : f32
    %add3A_13 = vector.broadcast %add3A_12 : f32 to vector<400x1xf32>
    %add3A_14 = arith.addf %add3A, %add3A_13 : vector<400x1xf32>
    %rsqrt3A = math.rsqrt %add3A_14 : vector<400x1xf32>
    %mul3A = vector.broadcast %rsqrt3A : vector<400x1xf32> to vector<400x128xf32>
    %mul3A_15 = arith.mulf %dot_general3A_5, %mul3A : vector<400x128xf32>
    %swap3A = arith.constant 0 : index
    %swap3A_16 = arith.constant 0 : index
    %swap3A_17 = vector.load %arg5[%swap3A, %swap3A_16] : memref<400x128xf32, #tpu.memory_space<vmem>>, vector<400x128xf32>
    tpu.vector_store %arg5[%swap3A, %swap3A_16], %mul3A_15 {strides = array<i32>} : memref<400x128xf32, #tpu.memory_space<vmem>>, vector<400x128xf32>,
    %swap3A_18 = arith.constant 0 : index
    %swap3A_19 = arith.constant 0 : index
    %swap3A_20 = vector.load %arg6[%swap3A_18, %swap3A_19] : memref<400x1xf32, #tpu.memory_space<vmem>>, vector<400x1xf32>
    tpu.vector_store %arg6[%swap3A_18, %swap3A_19], %rsqrt3A {strides = array<i32>} : memref<400x1xf32, #tpu.memory_space<vmem>>, vector<400x1xf32>,
    return
  }
  func.func @transform_0(%arg0: i32) -> (i32, i32) {
    %c0_i32 = arith.constant 0 : i32
    %c0_i32_0 = arith.constant 0 : i32
    return %arg0, %c0_i32 : i32, i32
  }
  func.func @transform_1(%arg0: i32) -> (i32, i32) {
    %c0_i32 = arith.constant 0 : i32
    %c0_i32_0 = arith.constant 0 : i32
    %c0_i32_1 = arith.constant 0 : i32
    return %c0_i32, %c0_i32_0 : i32, i32
  }
  func.func @transform_2(%arg0: i32) -> (i32, i32) {
    %c0_i32 = arith.constant 0 : i32
    %c0_i32_0 = arith.constant 0 : i32
    return %arg0, %c0_i32 : i32, i32
  }
  func.func @transform_3(%arg0: i32) -> (i32, i32) {
    %c0_i32 = arith.constant 0 : i32
    %c0_i32_0 = arith.constant 0 : i32
    return %arg0, %c0_i32 : i32, i32
  }
  func.func @transform_4(%arg0: i32) -> (i32, i32) {
    %c0_i32 = arith.constant 0 : i32
    %c0_i32_0 = arith.constant 0 : i32
    return %arg0, %c0_i32 : i32, i32
  }
  func.func @transform_5(%arg0: i32) -> (i32, i32) {
    %c0_i32 = arith.constant 0 : i32
    %c0_i32_0 = arith.constant 0 : i32
    return %arg0, %c0_i32 : i32, i32
  }
}

module attributes {stable_mosaic.version = 14 : i64} {
  func.func @_finish_kernel(%arg0: i32, %arg1: memref<400x128xf32, #tpu.memory_space<vmem>>, %arg2: memref<400x128xf32, #tpu.memory_space<vmem>>, %arg3: memref<400x1xf32, #tpu.memory_space<vmem>>, %arg4: memref<1x128xf32, #tpu.memory_space<vmem>>, %arg5: memref<128x1xf32, #tpu.memory_space<vmem>>, %arg6: memref<1x1xf32, #tpu.memory_space<vmem>>, %arg7: memref<400x1xf32, #tpu.memory_space<vmem>>) attributes {dimension_semantics = [#tpu.dimension_semantics<arbitrary>], iteration_bounds = array<i64: 25>, scalar_prefetch = 0 : i64, scratch_operands = 0 : i64, tpu.core_type = #tpu.core_type<tc>, window_params = [{transform_indices = @transform_0, window_bounds = array<i64: 400, 128>}, {transform_indices = @transform_1, window_bounds = array<i64: 400, 128>}, {transform_indices = @transform_2, window_bounds = array<i64: 400, 1>}, {pipeline_mode = #tpu.pipeline_mode<synchronous>, transform_indices = @transform_3, window_bounds = array<i64: 1, 128>}, {pipeline_mode = #tpu.pipeline_mode<synchronous>, transform_indices = @transform_4, window_bounds = array<i64: 128, 1>}, {pipeline_mode = #tpu.pipeline_mode<synchronous>, transform_indices = @transform_5, window_bounds = array<i64: 1, 1>}, {transform_indices = @transform_6, window_bounds = array<i64: 400, 1>}]} {
    %get3A = arith.constant 0 : index
    %get3A_0 = arith.constant 0 : index
    %get3A_1 = vector.load %arg1[%get3A, %get3A_0] : memref<400x128xf32, #tpu.memory_space<vmem>>, vector<400x128xf32>
    %get3A_2 = arith.constant 0 : index
    %get3A_3 = arith.constant 0 : index
    %get3A_4 = vector.load %arg2[%get3A_2, %get3A_3] : memref<400x128xf32, #tpu.memory_space<vmem>>, vector<400x128xf32>
    %add3A = arith.addf %get3A_1, %get3A_4 : vector<400x128xf32>
    %get3A_5 = arith.constant 0 : index
    %get3A_6 = arith.constant 0 : index
    %get3A_7 = vector.load %arg3[%get3A_5, %get3A_6] : memref<400x1xf32, #tpu.memory_space<vmem>>, vector<400x1xf32>
    %mul3A = vector.broadcast %get3A_7 : vector<400x1xf32> to vector<400x128xf32>
    %mul3A_8 = arith.mulf %add3A, %mul3A : vector<400x128xf32>
    %get3A_9 = arith.constant 0 : index
    %get3A_10 = arith.constant 0 : index
    %get3A_11 = vector.load %arg4[%get3A_9, %get3A_10] : memref<1x128xf32, #tpu.memory_space<vmem>>, vector<1x128xf32>
    %add3A_12 = vector.broadcast %get3A_11 : vector<1x128xf32> to vector<400x128xf32>
    %add3A_13 = arith.addf %mul3A_8, %add3A_12 : vector<400x128xf32>
    %max3A = arith.constant 0.000000e+00 : f32
    %max3A_14 = vector.broadcast %max3A : f32 to vector<400x128xf32>
    %max3A_15 = arith.maximumf %add3A_13, %max3A_14 : vector<400x128xf32>
    %get3A_16 = arith.constant 0 : index
    %get3A_17 = arith.constant 0 : index
    %get3A_18 = vector.load %arg5[%get3A_16, %get3A_17] : memref<128x1xf32, #tpu.memory_space<vmem>>, vector<128x1xf32>
    %dot_general3A = arith.constant dense<0.000000e+00> : vector<400x1xf32>
    %dot_general3A_19 = tpu.matmul %max3A_15, %get3A_18, %dot_general3A {dimension_numbers = #tpu.dot_dimension_numbers<[1], [0], [0], [1], [0, 0, 1, 1], [], []>, transpose_lhs_hint = false} : vector<400x128xf32>, vector<128x1xf32>, vector<400x1xf32> -> vector<400x1xf32>
    %get3A_20 = arith.constant 0 : index
    %get3A_21 = arith.constant 0 : index
    %get3A_22 = vector.load %arg6[%get3A_20, %get3A_21] : memref<1x1xf32, #tpu.memory_space<vmem>>, vector<1x1xf32>
    %add3A_23 = vector.broadcast %get3A_22 : vector<1x1xf32> to vector<400x1xf32>
    %add3A_24 = arith.addf %dot_general3A_19, %add3A_23 : vector<400x1xf32>
    %swap3A = arith.constant 0 : index
    %swap3A_25 = arith.constant 0 : index
    %swap3A_26 = vector.load %arg7[%swap3A, %swap3A_25] : memref<400x1xf32, #tpu.memory_space<vmem>>, vector<400x1xf32>
    tpu.vector_store %arg7[%swap3A, %swap3A_25], %add3A_24 {strides = array<i32>} : memref<400x1xf32, #tpu.memory_space<vmem>>, vector<400x1xf32>,
    return
  }
  func.func @transform_0(%arg0: i32) -> (i32, i32) {
    %c0_i32 = arith.constant 0 : i32
    %c0_i32_0 = arith.constant 0 : i32
    return %arg0, %c0_i32 : i32, i32
  }
  func.func @transform_1(%arg0: i32) -> (i32, i32) {
    %c0_i32 = arith.constant 0 : i32
    %c0_i32_0 = arith.constant 0 : i32
    return %arg0, %c0_i32 : i32, i32
  }
  func.func @transform_2(%arg0: i32) -> (i32, i32) {
    %c0_i32 = arith.constant 0 : i32
    %c0_i32_0 = arith.constant 0 : i32
    return %arg0, %c0_i32 : i32, i32
  }
  func.func @transform_3(%arg0: i32) -> (i32, i32) {
    %c0_i32 = arith.constant 0 : i32
    %c0_i32_0 = arith.constant 0 : i32
    %c0_i32_1 = arith.constant 0 : i32
    return %c0_i32, %c0_i32_0 : i32, i32
  }
  func.func @transform_4(%arg0: i32) -> (i32, i32) {
    %c0_i32 = arith.constant 0 : i32
    %c0_i32_0 = arith.constant 0 : i32
    %c0_i32_1 = arith.constant 0 : i32
    return %c0_i32, %c0_i32_0 : i32, i32
  }
  func.func @transform_5(%arg0: i32) -> (i32, i32) {
    %c0_i32 = arith.constant 0 : i32
    %c0_i32_0 = arith.constant 0 : i32
    %c0_i32_1 = arith.constant 0 : i32
    return %c0_i32, %c0_i32_0 : i32, i32
  }
  func.func @transform_6(%arg0: i32) -> (i32, i32) {
    %c0_i32 = arith.constant 0 : i32
    %c0_i32_0 = arith.constant 0 : i32
    return %arg0, %c0_i32 : i32, i32
  }
}

</mosaic_0001>

<sc_bundles>
// kernel: kernel.6.cloned.1.call-start
scs
__scs_entry_jumppad:
0x0: {  	(pc) =	sbr.rel $0x88, $3  }
0x1: {  	(tag) =	ssettag $0x0;
	lr =	simm.s32 $0x1  }
0x2: {  	[smem:$0x3F9B] =	sst lr;
	_ =	strace $0xD0000000  }
0x3: {  	_ = 	snop  }
0x4: {  	_ = 	snop  }
0x5: {  	_ = 	snop  }
0x6: {  	_ = 	snop  }
0x7: {  	_ = 	snop  }
__scs_overlays_trampoline_lowered:
0x8: {  	[smem:$0x3FAA] =	sst s0  }
0x9: {  	[smem:$0x3FAB] =	sst s1  }
0xa: {  	[smem:$0x3FAC] =	sst s2  }
0xb: {  	[smem:$0x3FAD] =	sst s3  }
0xc: {  	[smem:$0x3FAE] =	sst s4  }
0xd: {  	[smem:$0x3FAF] =	sst s5  }
0xe: {  	[smem:$0x3FB0] =	sst s6  }
0xf: {  	[smem:$0x3FB1] =	sst s7  }
0x10: {  	[smem:$0x3FB2] =	sst s8  }
0x11: {  	[smem:$0x3FB3] =	sst s9;
	s0 =	simm.s32 @!p0 $0x0  }
0x12: {  	s1 =	sld [smem:$0x3F99];
	s0 =	simm.s32 @p0 $0x1  }
0x13: {  	[smem:$0x3FB4] =	sst s0;
	s0 =	simm.s32 @!p1 $0x0  }
0x14: {  	s2 =	sld [smem:$0x3F98];
	s0 =	simm.s32 @p1 $0x1  }
0x15: {  	[smem:$0x3FB5] =	sst s0;
	s0 =	simm.s32 @!p2 $0x0  }
0x16: {  	s3 =	sld [smem:$0x3FDB];
	s0 =	simm.s32 @p2 $0x1  }
0x17: {  	s4 =	simm.s32 $0x1BF5;
	[smem:$0x3FB7] =	sst s0  }
0x18: {  	s0 =	sld [smem:$0x3F9A];
	_ =	swait.ge [sflag:s4], $0x0  }
0x19: {  	s7 =	sld [smem:$0x3F9B]  }
0x1a: {  	s8 =	sadd.s32 $0xFFFFE003, lr  }
0x1b: {  	s9 =	sadd.s32 $0xFFFFFEF7, lr;
	s5 =	simm.s32 $0xFFFFFFFF;
	p2 =	slt.u32 s8, $0xFFFFF086  }
0x1c: {  	p1 =	slt.u32 s9, $0xF7A;
	s5 =	simm.s32 @!p2 $0x0  }
0x1d: {  	s5 =	simm.s32 @p1 $0x1;
	p0 =	seq.s32 s7, s2  }
0x1e: {  	s7 =	smul.u32 @!p0 $0xF7A, s2;
	p2 =	seq.s32 @!p0 s5, $0x0  }
0x1f: {  	s9 =	smul.u32 $0xF7A, s1;
	s8 =	simm.s32 @!p0 $0x1BF5;
	p2 =	por !p2, p0  }
0x20: {  	[sflag:s8] =	ssyncset.s32 @!p0 $0xFFFFF086;
	s6 =	sadd.s32 @!p0 s3, s7;
	s7 =	simm.s32 @!p0 $0x108  }
0x21: {  	s3 =	sadd.s32 s3, s9;
	s6 =	sadd.s32 @!p0 $0x88, s6;
	s7 =	simm.s32 @p2 $0x1082  }
0x22: {  	[simem:s7], [sflag:s8] =	dma.local @!p0 [hbm:s6], $0xF7A  }
0x23: {  	s9 =	sor.u32 $0xD0000000, s2;
	s6 =	simm.s32 $0x108;
	_ =	swait.ge @!p0 [sflag:s8], $0x0  }
0x24: {  	s3 =	sadd.s32 $0x88, s3;
	s6 =	simm.s32 @!p1 $0x1082;
	[sflag:s4] =	ssyncset.s32 $0xFFFFF086  }
0x25: {  	[simem:s6], [sflag:s4] =	dma.local [hbm:s3], $0xF7A  }
0x26: {  	[smem:$0x3F9B] =	sst s1;
	(tag) =	ssettag s2;
	_ =	strace s9  }
0x27: {  	s1 =	sld [smem:$0x3FAB]  }
0x28: {  	s2 =	sld [smem:$0x3FAC]  }
0x29: {  	s4 =	sld [smem:$0x3FAE]  }
0x2a: {  	p0 =	seq.s32 s5, $0x0;
	s5 =	sld [smem:$0x3FAF]  }
0x2b: {  	s6 =	sld [smem:$0x3FB0]  }
0x2c: {  	s7 =	sld [smem:$0x3FB1]  }
0x2d: {  	s3 =	simm.s32 $0x108;
	s8 =	sld [smem:$0x3FB2]  }
0x2e: {  	s3 =	simm.s32 @!p0 $0x1082;
	s9 =	sld [smem:$0x3FB3]  }
0x2f: {  	lr =	sadd.s32 s0, s3;
	s0 =	sld [smem:$0x3FAA]  }
0x30: {  	s3 =	sld [smem:$0x3FAD]  }
0x31: {  	[smem:$0x3FB6] =	sst s10  }
0x32: {  	s10 =	sld [smem:$0x3FB4];
	_ =	sdelay $0x3  }
0x33: {  	p0 =	seq.s32 s10, $0x1;
	s10 =	sld [smem:$0x3FB6];
	_ =	sdelay $0x3  }
0x34: {  	[smem:$0x3FB6] =	sst s10  }
0x35: {  	s10 =	sld [smem:$0x3FB5];
	_ =	sdelay $0x3  }
0x36: {  	p1 =	seq.s32 s10, $0x1;
	s10 =	sld [smem:$0x3FB6];
	_ =	sdelay $0x3  }
0x37: {  	[smem:$0x3FB6] =	sst s10  }
0x38: {  	s10 =	sld [smem:$0x3FB7]  }
0x39: {  	_ = 	snop;
	(pc) =	sbr.ind lr, $3  }
0x3a: {  	_ = 	snop  }
0x3b: {  	_ = 	snop  }
0x3c: {  	p2 =	seq.s32 s10, $0x1;
	s10 =	sld [smem:$0x3FB6]  }
0x3d: {  	_ =	shalt  }
0x3e: {  	_ =	shalt  }
0x3f: {  	_ =	shalt  }
0x40: {  	_ =	shalt  }
0x41: {  	_ =	shalt  }
0x42: {  	_ =	shalt  }
0x43: {  	_ =	shalt  }
0x44: {  	_ =	shalt  }
0x45: {  	_ =	shalt  }
0x46: {  	_ =	shalt  }
0x47: {  	_ =	shalt  }
0x48: {  	_ =	shalt  }
0x49: {  	_ =	shalt  }
0x4a: {  	_ =	shalt  }
0x4b: {  	_ =	shalt  }
0x4c: {  	_ =	shalt  }
0x4d: {  	_ =	shalt  }
0x4e: {  	_ =	shalt  }
0x4f: {  	_ =	shalt  }
0x50: {  	_ =	shalt  }
0x51: {  	_ =	shalt  }
0x52: {  	_ =	shalt  }
0x53: {  	_ =	shalt  }
0x54: {  	_ =	shalt  }
0x55: {  	_ =	shalt  }
0x56: {  	_ =	shalt  }
0x57: {  	_ =	shalt  }
0x58: {  	_ =	shalt  }
0x59: {  	_ =	shalt  }
0x5a: {  	_ =	shalt  }
0x5b: {  	_ =	shalt  }
0x5c: {  	_ =	shalt  }
0x5d: {  	_ =	shalt  }
0x5e: {  	_ =	shalt  }
0x5f: {  	_ =	shalt  }
0x60: {  	_ =	shalt  }
0x61: {  	_ =	shalt  }
0x62: {  	_ =	shalt  }
0x63: {  	_ =	shalt  }
0x64: {  	_ =	shalt  }
0x65: {  	_ =	shalt  }
0x66: {  	_ =	shalt  }
0x67: {  	_ =	shalt  }
0x68: {  	_ =	shalt  }
0x69: {  	_ =	shalt  }
0x6a: {  	_ =	shalt  }
0x6b: {  	_ =	shalt  }
0x6c: {  	_ =	shalt  }
0x6d: {  	_ =	shalt  }
0x6e: {  	_ =	shalt  }
0x6f: {  	_ =	shalt  }
0x70: {  	_ =	shalt  }
0x71: {  	_ =	shalt  }
0x72: {  	_ =	shalt  }
0x73: {  	_ =	shalt  }
0x74: {  	_ =	shalt  }
0x75: {  	_ =	shalt  }
0x76: {  	_ =	shalt  }
0x77: {  	_ =	shalt  }
0x78: {  	_ =	shalt  }
0x79: {  	_ =	shalt  }
0x7a: {  	_ =	shalt  }
0x7b: {  	_ =	shalt  }
0x7c: {  	_ =	shalt  }
0x7d: {  	_ =	shalt  }
0x7e: {  	_ =	shalt  }
0x7f: {  	_ =	shalt  }
0x80: {  	_ =	shalt  }
0x81: {  	_ =	shalt  }
0x82: {  	_ =	shalt  }
0x83: {  	_ =	shalt  }
0x84: {  	_ =	shalt  }
0x85: {  	_ =	shalt  }
0x86: {  	_ =	shalt  }
0x87: {  	_ =	shalt  }
.Lfunc_end0:
.L_simem_size_0:
called_computation_lowered:
.L_overlay_start_0:
0x88: {  	s2 =	sld [smem:$0x3FD9]  }
0x89: {  	s3 =	sld [smem:$0x3FFE];
	_ =	sdelay $0x1  }
0x8a: {  	s1 =	srdreg.scid  }
0x8b: {  	s0 =	sand.u32 $0x1, s1  }
0x8c: {  	s16 =	sshll.u32 s0, $0xA;
	s2 =	sadd.s32 s3, s2  }
0x8d: {  	s2 =	sadd.s32 s2, s16  }
0x8e: {  	[smem:$0x3FC2] =	sst s2  }
0x8f: {  	_ = 	snop  }
0x90: {  	(tm) =	ssettm $0x1  }
0x91: {  	s17 =	sld [smem:$0x3FFB];
	_ =	sdelay $0x3  }
0x92: {  	_ =	strace s17  }
0x93: {  	s2 =	sld [smem:$0x3FFC];
	_ =	sdelay $0x3  }
0x94: {  	_ =	strace s2  }
0x95: {  	s2 =	sld [smem:$0x3FFD];
	_ =	sdelay $0x3  }
0x96: {  	_ =	strace s2  }
0x97: {  	_ =	strace $0x8FFFFFFF  }
0x98: {  	s18 =	sld [smem:$0x3FDB];
	_ =	sdelay $0x1  }
0x99: {  	s19 =	simm.s32 $_scs_section_size  }
0x9a: {  	s4 =	simm.s32 $_size__tile_overlayer_lowered;
	s5 =	simm.s32 $_tile_overlayer_lowered  }
0x9b: {  	s22 =	simm.s32 $0x1BFF;
	s21 =	sshll.u32 s5, $0x1;
	s2 =	sadd.s32 s19, s18  }
0x9c: {  	s6 =	simm.s32 $0x0;
	s20 =	sshll.u32 s4, $0x1;
	s4 =	sadd.s32 s21, s2  }
0x9d: {  	[timem:s6], [sflag:s22] =	dma.local [hbm:s4], s20  }
0x9e: {  	_ =	swait.ge [sflag:s22], s20  }
0x9f: {  	s3 =	ssub.s32 $0x0, s20;
	[sflag:s22] =	ssyncset.done $0x0  }
0xa0: {  	[sflag:s22] =	ssyncadd.s32 s3;
	_ =	sdelay $0x1  }
0xa1: {  	s23 =	simm.s32 $0x1B8B  }
0xa2: {  	_ =	swait.ge [sflag:s23], $0x1  }
0xa3: {  	[sflag:s23] =	ssyncset.done $0x0  }
0xa4: {  	s25 =	simm.s32 $0x1B8E;
	s24 =	sld [smem:$0x3FFE];
	[sflag:s23] =	ssyncadd.s32 $0xFFFFFFFF  }
0xa5: {  	s26 =	simm.s32 $execute0_lowered;
	[smem:$0x3FD2] =	sst s25  }
0xa6: {  	s4 =	sshll.u32 s26, $0x1;
	_ =	strace $0x80000046;
	[dreg:$0x1] =	wrdreg $0xFFFFFFFF  }
0xa7: {  	s28 =	simm.s32 $_size_execute0_lowered;
	s2 =	sadd.s32 s2, s4;
	[dreg:$0x0] =	wrdreg $0x0  }
0xa8: {  	s4 =	sshll.u32 s28, $0x1;
	[dreg:$0x2] =	wrdreg s2  }
0xa9: {  	[dreg:$0x3] =	wrdreg s4  }
0xaa: {  	[dreg:$0x4] =	wrdreg $0xC0  }
0xab: {  	_ =	task [dreg:s6], $0x5FFFF  }
0xac: {  	[dreg:$0x1] =	wrdreg $0xFFFFFFFF  }
0xad: {  	[dreg:$0x0] =	wrdreg $0x60  }
0xae: {  	[dreg:$0x2] =	wrdreg s24  }
0xaf: {  	[dreg:$0x3] =	wrdreg $0x43000  }
0xb0: {  	[dreg:$0x4] =	wrdreg $0x9  }
0xb1: {  	_ =	task.clear_ibuf [dreg:s6], $0x5FFFF;
	_ =	strace $0x90000046  }
0xb2: {  	s29 =	simm.s32 $0x9;
	_ =	strace $0x80000048  }
0xb3: {  	_ =	swait.ge [sflag:s29], $0x1  }
0xb4: {  	[sflag:s29] =	ssyncadd.s32 $0xFFFFFFFF  }
0xb5: {  	_ =	strace $0x90000048  }
0xb6: {  	_ =	sfence  }
0xb7: {  	s30 =	sld [smem:$0x0];
	_ =	sdelay $0x2  }
0xb8: {  	s31 =	sshll.u32 s1, $0xD;
	s1 =	sshrl.u32 s1, $0x2  }
0xb9: {  	s3 =	sand.u32 $0x4000, s31;
	s1 =	sadd.s32 s1, s30  }
0xba: {  	s0 =	sor.u32 s3, s0;
	s1 =	sshll.u32 s1, $0x11  }
0xbb: {  	s0 =	sor.u32 s1, s0  }
0xbc: {  	s0 =	sadd.s32 $0x8F2B, s0  }
0xbd: {  	[sflag:s0] =	ssyncadd.remote.s32 $0x1  }
0xbe: {  	_ =	sfence.sel $0xFFFF  }
0xbf: {  	[dreg:$0x0] =	wrdreg $0xFFFFFFFF;
	(pc) =	sbr.abs _section_cstart, $3  }
0xc0: {  	[dreg:$0x1] =	wrdreg $0xFFFFFFFF  }
0xc1: {  	_ =	task.clear_ibuf [dreg:s6], $0x2FFFF;
	_ =	strace $0x9FFFFFFF  }
0xc2: {  	(tm) =	ssettm $0x7FFFFFFF  }
0xc3: {  	_ =	shalt  }
tec
execute0_lowered:
.L_overlay_start_1:
0x0: {  	(tag) =	ssettag $0x1  }
0x1: {  	s4 =	rddreg [dreg:$0x0]  }
0x2: {  	s2 =	rddreg [dreg:$0x1]  }
0x3: {  	s0 =	rddreg [dreg:$0x2];
	s3 =	simm.s32 $0x0  }
0x4: {  	s1 =	stileid.u32;
	s5 =	srdreg.scid;
	s12 =	simm.s32 $0x50  }
0x5: {  	s13 =	simm.s32 $0x4000;
	s14 =	simm.s32 $0x80;
	s15 =	simm.s32 $0x100  }
0x6: {  	s16 =	simm.s32 $0x180;
	s17 =	simm.s32 $0x200;
	s18 =	simm.s32 $0x280  }
0x7: {  	s19 =	simm.s32 $0x300;
	s20 =	simm.s32 $0x380;
	s21 =	simm.s32 $0x1  }
0x8: {  	s22 =	simm.s32 $0x0;
	[smem:$0x7FF] =	sst s3;
	s6 =	sshll.u32 s1, $0xB  }
0x9: {  	s5 =	sand.u32 $0x1, s5;
	s8 =	smul.u32 $0x270, s1;
	s11 =	sadd.s32 $0x11600, s4  }
0xa: {  	p0 =	sne.s32 s1, $0xF;
	_ =	strace $0x80000047;
	s6 =	sadd.s32 s6, s4  }
0xb: {  	s7 =	ssub.s32 $0x2, s5;
	s10 =	sshll.u32 s5, $0xF;
	s5 =	smul.u32 $0x2710, s5  }
0xc: {  	s9 =	sshrl.u32 s7, $0x1;
	s26 =	sadd.s32 s10, s6;
	s6 =	sadd.s32 $0x2700, s2  }
0xd: {  	s10 =	simm.s32 $0x2;
	s9 =	ssub.s32 s7, s9;
	s4 =	sadd.s32 $0x1600, s26  }
0xe: {  	s28 =	sadd.s32 s8, s5;
	s29 =	sshrl.u32 s5, $0x3;
	s5 =	sadd.s32 s8, s2  }
0xf: {  	s30 =	sshrl.u32 s28, $0x3;
	s31 =	sadd.s32 s11, s29;
	s9 =	smax.u32 s9, $0x1  }
0x10: {  	v0 =	vimm.f32 $1.000000000e+00;
	v1 =	vimm.f32 $0.0e+00;
	s7 =	sadd.s32 s11, s30;
	s8 =	sadd.s32 $0x4E0, s31;
	s11 =	simm.s32 $0x4080  }
.LBB2_1:
0x11: {  	[tilespmem:s3], [sflag:$0x2] =	stream.linear.gather [hbm4b:s4+s3], $0x3E80, $0x38;
	[tilespmem:$0x4578] =	vst v63  }
0x12: {  	_ =	swait.ge [sflag:s10], $0x3E80  }
0x13: {  	[sflag:s10] =	ssyncset.done $0x0  }
0x14: {  	[sflag:s10] =	ssyncadd.s32 $0xFFFFC180  }
0x15: {  	[tilespmem:$0x4000] =	vst v0  }
0x16: {  	[tilespmem:$0x4010] =	vst v0  }
0x17: {  	[tilespmem:$0x4020] =	vst v0  }
0x18: {  	[tilespmem:$0x4030] =	vst v0  }
0x19: {  	[tilespmem:$0x4040] =	vst v0  }
0x1a: {  	[tilespmem:$0x4080] =	vst v1  }
0x1b: {  	[tilespmem:$0x4090] =	vst v1  }
0x1c: {  	[tilespmem:$0x40A0] =	vst v1  }
0x1d: {  	[tilespmem:$0x40B0] =	vst v1  }
0x1e: {  	[tilespmem:$0x40C0] =	vst v1  }
0x1f: {  	[tilespmem:$0x40D0] =	vst v1  }
0x20: {  	[tilespmem:$0x40E0] =	vst v1  }
0x21: {  	[tilespmem:$0x40F0] =	vst v1  }
0x22: {  	[tilespmem:$0x4100] =	vst v1  }
0x23: {  	[tilespmem:$0x4110] =	vst v1  }
0x24: {  	[tilespmem:$0x4120] =	vst v1  }
0x25: {  	[tilespmem:$0x4130] =	vst v1  }
0x26: {  	[tilespmem:$0x4140] =	vst v1  }
0x27: {  	[tilespmem:$0x4150] =	vst v1  }
0x28: {  	[tilespmem:$0x4160] =	vst v1  }
0x29: {  	[tilespmem:$0x4170] =	vst v1  }
0x2a: {  	[tilespmem:$0x4180] =	vst v1  }
0x2b: {  	[tilespmem:$0x4190] =	vst v1  }
0x2c: {  	[tilespmem:$0x41A0] =	vst v1  }
0x2d: {  	[tilespmem:$0x41B0] =	vst v1  }
0x2e: {  	[tilespmem:$0x41C0] =	vst v1  }
0x2f: {  	[tilespmem:$0x41D0] =	vst v1  }
0x30: {  	[tilespmem:$0x41E0] =	vst v1  }
0x31: {  	[tilespmem:$0x41F0] =	vst v1  }
0x32: {  	[tilespmem:$0x4200] =	vst v1  }
0x33: {  	[tilespmem:$0x4210] =	vst v1  }
0x34: {  	[tilespmem:$0x4220] =	vst v1  }
0x35: {  	[tilespmem:$0x4230] =	vst v1  }
0x36: {  	[tilespmem:$0x4240] =	vst v1  }
0x37: {  	[tilespmem:$0x4250] =	vst v1  }
0x38: {  	[tilespmem:$0x4260] =	vst v1  }
0x39: {  	[tilespmem:$0x4270] =	vst v1  }
0x3a: {  	[tilespmem:$0x4280] =	vst v1  }
0x3b: {  	[tilespmem:$0x4290] =	vst v1  }
0x3c: {  	[tilespmem:$0x42A0] =	vst v1  }
0x3d: {  	[tilespmem:$0x42B0] =	vst v1  }
0x3e: {  	[tilespmem:$0x42C0] =	vst v1  }
0x3f: {  	[tilespmem:$0x42D0] =	vst v1  }
0x40: {  	[tilespmem:$0x42E0] =	vst v1  }
0x41: {  	[spmem:s5] =	stream.linear.scatter [tilespmem:s11], [sflag:$0x2], $0x270, $0x38;
	[tilespmem:$0x4578] =	vst v63  }
0x42: {  	_ =	swait.ge [sflag:s10], $0x270  }
0x43: {  	[sflag:s10] =	ssyncset.done $0x0  }
0x44: {  	s23 =	simm.s32 @!p0 $0x4080;
	[sflag:s10] =	ssyncadd.s32 $0xFFFFFD90  }
0x45: {  	[spmem:s6] =	stream.linear.scatter @!p0 [tilespmem:s23], [sflag:$0x2], $0x10, $0x38;
	[tilespmem:$0x4578] =	vst v63  }
0x46: {  	s23 =	simm.s32 @!p0 $0x2  }
0x47: {  	_ =	swait.ge @!p0 [sflag:s23], $0x10  }
0x48: {  	[sflag:s23] =	ssyncset.done @!p0 $0x0  }
0x49: {  	[sflag:s23] =	ssyncadd.s32 @!p0 $0xFFFFFFF0  }
0x4a: {  	[bflag:$0x0] =	sbarrier.arrive $0xFFFF  }
0x4b: {  	[spmem:s2] =	stream.indirect.scatter.add.f32 [tilespmem:s13], [sflag:$0x1], $0x1, s3, s12, $0xb8;
	[tilespmem:$0x4578] =	vst v63  }
0x4c: {  	_ = 	snop  }
0x4d: {  	[spmem:s2] =	stream.indirect.scatter.add.f32 [tilespmem:s13], [sflag:$0x1], $0x1, s14, s12, $0xb8;
	[tilespmem:$0x4578] =	vst v63  }
0x4e: {  	_ = 	snop  }
0x4f: {  	[spmem:s2] =	stream.indirect.scatter.add.f32 [tilespmem:s13], [sflag:$0x1], $0x1, s15, s12, $0xb8;
	[tilespmem:$0x4578] =	vst v63  }
0x50: {  	_ = 	snop  }
0x51: {  	[spmem:s2] =	stream.indirect.scatter.add.f32 [tilespmem:s13], [sflag:$0x1], $0x1, s16, s12, $0xb8;
	[tilespmem:$0x4578] =	vst v63  }
0x52: {  	_ = 	snop  }
0x53: {  	[spmem:s2] =	stream.indirect.scatter.add.f32 [tilespmem:s13], [sflag:$0x1], $0x1, s17, s12, $0xb8;
	[tilespmem:$0x4578] =	vst v63  }
0x54: {  	_ = 	snop  }
0x55: {  	[spmem:s2] =	stream.indirect.scatter.add.f32 [tilespmem:s13], [sflag:$0x1], $0x1, s18, s12, $0xb8;
	[tilespmem:$0x4578] =	vst v63  }
0x56: {  	_ = 	snop  }
0x57: {  	[spmem:s2] =	stream.indirect.scatter.add.f32 [tilespmem:s13], [sflag:$0x1], $0x1, s19, s12, $0xb8;
	[tilespmem:$0x4578] =	vst v63  }
0x58: {  	_ = 	snop  }
0x59: {  	[spmem:s2] =	stream.indirect.scatter.add.f32 [tilespmem:s13], [sflag:$0x1], $0x1, s20, s12, $0xb8;
	[tilespmem:$0x4578] =	vst v63  }
0x5a: {  	_ =	swait.ge [sflag:s21], $0x50  }
0x5b: {  	[sflag:s21] =	ssyncset.done $0x0  }
0x5c: {  	s24 =	simm.s32 $0x400;
	s23 =	simm.s32 $0x1200;
	[sflag:s21] =	ssyncadd.s32 $0xFFFFFFB0  }
.LBB2_2:
0x5d: {  	[spmem:s2] =	stream.indirect.scatter.add.f32 [tilespmem:s13], [sflag:$0x1], $0x1, s24, s12, $0xb8;
	[tilespmem:$0x4578] =	vst v63  }
0x5e: {  	s24 =	smov.u32 s23;
	p1 =	sne.s32 s23, $0xF800  }
.Ltmp0:
0x5f: {  	s23 =	sadd.s32 $0x200, s23;
	(pc) =	sbr.rel @p1 .LBB2_2-.Ltmp0, $4  }
0x60: {  	_ = 	snop  }
0x61: {  	_ =	swait.ge [sflag:s21], $0x50  }
0x62: {  	[sflag:s21] =	ssyncset.done $0x0  }
0x63: {  	s24 =	sshra.s32 s24, $0x2;
	[sflag:s21] =	ssyncadd.s32 $0xFFFFFFB0  }
0x64: {  	[spmem:s2] =	stream.indirect.scatter.add.f32 [tilespmem:s13], [sflag:$0x1], $0x1, s24, s12, $0xb8;
	[tilespmem:$0x4578] =	vst v63  }
0x65: {  	_ =	swait.ge [sflag:s21], $0x50  }
0x66: {  	[sflag:s21] =	ssyncset.done $0x0  }
0x67: {  	[sflag:s21] =	ssyncadd.s32 $0xFFFFFFB0  }
0x68: {  	_ =	swait.ge [sflag:s21], $0x50  }
0x69: {  	[sflag:s21] =	ssyncset.done $0x0  }
0x6a: {  	[sflag:s21] =	ssyncadd.s32 $0xFFFFFFB0  }
0x6b: {  	_ =	swait.ge [sflag:s21], $0x50  }
0x6c: {  	[sflag:s21] =	ssyncset.done $0x0  }
0x6d: {  	[sflag:s21] =	ssyncadd.s32 $0xFFFFFFB0  }
0x6e: {  	_ =	swait.ge [sflag:s21], $0x50  }
0x6f: {  	[sflag:s21] =	ssyncset.done $0x0  }
0x70: {  	[sflag:s21] =	ssyncadd.s32 $0xFFFFFFB0  }
0x71: {  	_ =	swait.ge [sflag:s21], $0x50  }
0x72: {  	[sflag:s21] =	ssyncset.done $0x0  }
0x73: {  	[sflag:s21] =	ssyncadd.s32 $0xFFFFFFB0  }
0x74: {  	_ =	swait.ge [sflag:s21], $0x50  }
0x75: {  	[sflag:s21] =	ssyncset.done $0x0  }
0x76: {  	[sflag:s21] =	ssyncadd.s32 $0xFFFFFFB0  }
0x77: {  	_ =	swait.ge [sflag:s21], $0x50  }
0x78: {  	[sflag:s21] =	ssyncset.done $0x0  }
0x79: {  	[sflag:s21] =	ssyncadd.s32 $0xFFFFFFB0  }
0x7a: {  	_ =	swait.ge [sflag:s21], $0x50  }
0x7b: {  	[sflag:s21] =	ssyncset.done $0x0  }
0x7c: {  	[sflag:s21] =	ssyncadd.s32 $0xFFFFFFB0  }
0x7d: {  	[bflag:$0x0] =	sbarrier.arrive $0xFFFF  }
0x7e: {  	[tilespmem:s11], [sflag:$0x2] =	stream.linear.gather [spmem:s5], $0x270, $0x38;
	[tilespmem:$0x4578] =	vst v63  }
0x7f: {  	_ =	swait.ge [sflag:s10], $0x270  }
0x80: {  	[sflag:s10] =	ssyncset.done $0x0  }
0x81: {  	[sflag:s10] =	ssyncadd.s32 $0xFFFFFD90  }
0x82: {  	[hbm4b:s7+s3] =	stream.linear.scatter [tilespmem:s11], [sflag:$0x2], $0x270, $0x38;
	[tilespmem:$0x4578] =	vst v63  }
0x83: {  	_ =	swait.ge [sflag:s10], $0x270  }
0x84: {  	[sflag:s10] =	ssyncset.done $0x0  }
0x85: {  	s23 =	simm.s32 @!p0 $0x4080;
	s24 =	simm.s32 @!p0 $0x2;
	[sflag:s10] =	ssyncadd.s32 $0xFFFFFD90  }
0x86: {  	[tilespmem:s23], [sflag:$0x2] =	stream.linear.gather @!p0 [spmem:s6], $0x10, $0x38;
	[tilespmem:$0x4578] =	vst v63  }
0x87: {  	s22 =	sadd.s32 $0x1, s22;
	_ =	swait.ge @!p0 [sflag:s24], $0x10  }
0x88: {  	p1 =	sne.s32 s22, s9;
	[sflag:s24] =	ssyncset.done @!p0 $0x0  }
.Ltmp1:
0x89: {  	s25 =	simm.s32 @!p0 $0x0;
	[sflag:s24] =	ssyncadd.s32 @!p0 $0xFFFFFFF0;
	(pc) =	sbr.rel @p1 .LBB2_1-.Ltmp1, $4  }
0x8a: {  	[hbm4b:s8+s25] =	stream.linear.scatter @!p0 [tilespmem:s23], [sflag:$0x2], $0x10, $0x38;
	[tilespmem:$0x4578] =	vst v63  }
0x8b: {  	_ =	swait.ge @!p0 [sflag:s24], $0x10  }
0x8c: {  	[sflag:s24] =	ssyncset.done @!p0 $0x0  }
0x8d: {  	[sflag:s24] =	ssyncadd.s32 @!p0 $0xFFFFFFF0  }
0x8e: {  	_ =	sfence.sel $0x180000  }
0x8f: {  	[bflag:$0x0] =	sbarrier.arrive $0xFFFF  }
0x90: {  	p0 =	sne.s32 s1, $0x0;
	_ =	strace $0x90000047  }
0x91: {  	s0 =	sadd.s32 @!p0 $0x100000, s0;
	[bflag:$0x2] =	sbarrier.arrive $0xFFFF  }
0x92: {  	[sflag:s0] =	ssyncadd.tile.s32 @!p0 $0x1;
	_ =	shalt  }
.Lfunc_end2:
_tile_overlayer_lowered:
.L_overlay_start_2:
0x93: {  	(tag) =	ssettag $0x2  }
0x94: {  	s0 =	rddreg [dreg:$0x0];
	s2 =	stileid.u32  }
0x95: {  	s1 =	rddreg [dreg:$0x1];
	p0 =	sne.s32 s2, $0x0  }
0x96: {  	s3 =	rddreg [dreg:$0x2];
	[bflag:$0x3] =	sbarrier.arrive $0xFFFF;
	s2 =	simm.s32 @!p0 $0x1C02  }
0x97: {  	[timem:s3], [sflag:s2] =	dma.local @!p0 [hbm:s0], s1  }
0x98: {  	s0 =	simm.s32 @!p0 $0x2  }
0x99: {  	_ =	swait.ge @!p0 [sflag:s0], s1  }
0x9a: {  	s1 =	ssub.s32 @!p0 $0x0, s1;
	[sflag:s0] =	ssyncset.done @!p0 $0x0  }
0x9b: {  	[sflag:s0] =	ssyncadd.s32 @!p0 s1  }
0x9c: {  	[bflag:$0x3] =	sbarrier.arrive $0xFFFF  }
0x9d: {  	_ =	shalt  }

// kernel: kernel.9.cloned.1.call-start
scs
__scs_entry_jumppad:
0x0: {  	(pc) =	sbr.rel $0x88, $3  }
0x1: {  	(tag) =	ssettag $0x0;
	lr =	simm.s32 $0x1  }
0x2: {  	[smem:$0x3F9B] =	sst lr;
	_ =	strace $0xD0000000  }
0x3: {  	_ = 	snop  }
0x4: {  	_ = 	snop  }
0x5: {  	_ = 	snop  }
0x6: {  	_ = 	snop  }
0x7: {  	_ = 	snop  }
__scs_overlays_trampoline_lowered:
0x8: {  	[smem:$0x3FAA] =	sst s0  }
0x9: {  	[smem:$0x3FAB] =	sst s1  }
0xa: {  	[smem:$0x3FAC] =	sst s2  }
0xb: {  	[smem:$0x3FAD] =	sst s3  }
0xc: {  	[smem:$0x3FAE] =	sst s4  }
0xd: {  	[smem:$0x3FAF] =	sst s5  }
0xe: {  	[smem:$0x3FB0] =	sst s6  }
0xf: {  	[smem:$0x3FB1] =	sst s7  }
0x10: {  	[smem:$0x3FB2] =	sst s8  }
0x11: {  	[smem:$0x3FB3] =	sst s9;
	s0 =	simm.s32 @!p0 $0x0  }
0x12: {  	s1 =	sld [smem:$0x3F99];
	s0 =	simm.s32 @p0 $0x1  }
0x13: {  	[smem:$0x3FB4] =	sst s0;
	s0 =	simm.s32 @!p1 $0x0  }
0x14: {  	s2 =	sld [smem:$0x3F98];
	s0 =	simm.s32 @p1 $0x1  }
0x15: {  	[smem:$0x3FB5] =	sst s0;
	s0 =	simm.s32 @!p2 $0x0  }
0x16: {  	s3 =	sld [smem:$0x3FDB];
	s0 =	simm.s32 @p2 $0x1  }
0x17: {  	s4 =	simm.s32 $0x1BF5;
	[smem:$0x3FB7] =	sst s0  }
0x18: {  	s0 =	sld [smem:$0x3F9A];
	_ =	swait.ge [sflag:s4], $0x0  }
0x19: {  	s7 =	sld [smem:$0x3F9B]  }
0x1a: {  	s8 =	sadd.s32 $0xFFFFE003, lr  }
0x1b: {  	s9 =	sadd.s32 $0xFFFFFEF7, lr;
	s5 =	simm.s32 $0xFFFFFFFF;
	p2 =	slt.u32 s8, $0xFFFFF086  }
0x1c: {  	p1 =	slt.u32 s9, $0xF7A;
	s5 =	simm.s32 @!p2 $0x0  }
0x1d: {  	s5 =	simm.s32 @p1 $0x1;
	p0 =	seq.s32 s7, s2  }
0x1e: {  	s7 =	smul.u32 @!p0 $0xF7A, s2;
	p2 =	seq.s32 @!p0 s5, $0x0  }
0x1f: {  	s9 =	smul.u32 $0xF7A, s1;
	s8 =	simm.s32 @!p0 $0x1BF5;
	p2 =	por !p2, p0  }
0x20: {  	[sflag:s8] =	ssyncset.s32 @!p0 $0xFFFFF086;
	s6 =	sadd.s32 @!p0 s3, s7;
	s7 =	simm.s32 @!p0 $0x108  }
0x21: {  	s3 =	sadd.s32 s3, s9;
	s6 =	sadd.s32 @!p0 $0x88, s6;
	s7 =	simm.s32 @p2 $0x1082  }
0x22: {  	[simem:s7], [sflag:s8] =	dma.local @!p0 [hbm:s6], $0xF7A  }
0x23: {  	s9 =	sor.u32 $0xD0000000, s2;
	s6 =	simm.s32 $0x108;
	_ =	swait.ge @!p0 [sflag:s8], $0x0  }
0x24: {  	s3 =	sadd.s32 $0x88, s3;
	s6 =	simm.s32 @!p1 $0x1082;
	[sflag:s4] =	ssyncset.s32 $0xFFFFF086  }
0x25: {  	[simem:s6], [sflag:s4] =	dma.local [hbm:s3], $0xF7A  }
0x26: {  	[smem:$0x3F9B] =	sst s1;
	(tag) =	ssettag s2;
	_ =	strace s9  }
0x27: {  	s1 =	sld [smem:$0x3FAB]  }
0x28: {  	s2 =	sld [smem:$0x3FAC]  }
0x29: {  	s4 =	sld [smem:$0x3FAE]  }
0x2a: {  	p0 =	seq.s32 s5, $0x0;
	s5 =	sld [smem:$0x3FAF]  }
0x2b: {  	s6 =	sld [smem:$0x3FB0]  }
0x2c: {  	s7 =	sld [smem:$0x3FB1]  }
0x2d: {  	s3 =	simm.s32 $0x108;
	s8 =	sld [smem:$0x3FB2]  }
0x2e: {  	s3 =	simm.s32 @!p0 $0x1082;
	s9 =	sld [smem:$0x3FB3]  }
0x2f: {  	lr =	sadd.s32 s0, s3;
	s0 =	sld [smem:$0x3FAA]  }
0x30: {  	s3 =	sld [smem:$0x3FAD]  }
0x31: {  	[smem:$0x3FB6] =	sst s10  }
0x32: {  	s10 =	sld [smem:$0x3FB4];
	_ =	sdelay $0x3  }
0x33: {  	p0 =	seq.s32 s10, $0x1;
	s10 =	sld [smem:$0x3FB6];
	_ =	sdelay $0x3  }
0x34: {  	[smem:$0x3FB6] =	sst s10  }
0x35: {  	s10 =	sld [smem:$0x3FB5];
	_ =	sdelay $0x3  }
0x36: {  	p1 =	seq.s32 s10, $0x1;
	s10 =	sld [smem:$0x3FB6];
	_ =	sdelay $0x3  }
0x37: {  	[smem:$0x3FB6] =	sst s10  }
0x38: {  	s10 =	sld [smem:$0x3FB7]  }
0x39: {  	_ = 	snop;
	(pc) =	sbr.ind lr, $3  }
0x3a: {  	_ = 	snop  }
0x3b: {  	_ = 	snop  }
0x3c: {  	p2 =	seq.s32 s10, $0x1;
	s10 =	sld [smem:$0x3FB6]  }
0x3d: {  	_ =	shalt  }
0x3e: {  	_ =	shalt  }
0x3f: {  	_ =	shalt  }
0x40: {  	_ =	shalt  }
0x41: {  	_ =	shalt  }
0x42: {  	_ =	shalt  }
0x43: {  	_ =	shalt  }
0x44: {  	_ =	shalt  }
0x45: {  	_ =	shalt  }
0x46: {  	_ =	shalt  }
0x47: {  	_ =	shalt  }
0x48: {  	_ =	shalt  }
0x49: {  	_ =	shalt  }
0x4a: {  	_ =	shalt  }
0x4b: {  	_ =	shalt  }
0x4c: {  	_ =	shalt  }
0x4d: {  	_ =	shalt  }
0x4e: {  	_ =	shalt  }
0x4f: {  	_ =	shalt  }
0x50: {  	_ =	shalt  }
0x51: {  	_ =	shalt  }
0x52: {  	_ =	shalt  }
0x53: {  	_ =	shalt  }
0x54: {  	_ =	shalt  }
0x55: {  	_ =	shalt  }
0x56: {  	_ =	shalt  }
0x57: {  	_ =	shalt  }
0x58: {  	_ =	shalt  }
0x59: {  	_ =	shalt  }
0x5a: {  	_ =	shalt  }
0x5b: {  	_ =	shalt  }
0x5c: {  	_ =	shalt  }
0x5d: {  	_ =	shalt  }
0x5e: {  	_ =	shalt  }
0x5f: {  	_ =	shalt  }
0x60: {  	_ =	shalt  }
0x61: {  	_ =	shalt  }
0x62: {  	_ =	shalt  }
0x63: {  	_ =	shalt  }
0x64: {  	_ =	shalt  }
0x65: {  	_ =	shalt  }
0x66: {  	_ =	shalt  }
0x67: {  	_ =	shalt  }
0x68: {  	_ =	shalt  }
0x69: {  	_ =	shalt  }
0x6a: {  	_ =	shalt  }
0x6b: {  	_ =	shalt  }
0x6c: {  	_ =	shalt  }
0x6d: {  	_ =	shalt  }
0x6e: {  	_ =	shalt  }
0x6f: {  	_ =	shalt  }
0x70: {  	_ =	shalt  }
0x71: {  	_ =	shalt  }
0x72: {  	_ =	shalt  }
0x73: {  	_ =	shalt  }
0x74: {  	_ =	shalt  }
0x75: {  	_ =	shalt  }
0x76: {  	_ =	shalt  }
0x77: {  	_ =	shalt  }
0x78: {  	_ =	shalt  }
0x79: {  	_ =	shalt  }
0x7a: {  	_ =	shalt  }
0x7b: {  	_ =	shalt  }
0x7c: {  	_ =	shalt  }
0x7d: {  	_ =	shalt  }
0x7e: {  	_ =	shalt  }
0x7f: {  	_ =	shalt  }
0x80: {  	_ =	shalt  }
0x81: {  	_ =	shalt  }
0x82: {  	_ =	shalt  }
0x83: {  	_ =	shalt  }
0x84: {  	_ =	shalt  }
0x85: {  	_ =	shalt  }
0x86: {  	_ =	shalt  }
0x87: {  	_ =	shalt  }
.Lfunc_end0:
.L_simem_size_0:
called_computation.1_lowered:
.L_overlay_start_0:
0x88: {  	s2 =	sld [smem:$0x3FD9]  }
0x89: {  	s3 =	sld [smem:$0x3FFE];
	_ =	sdelay $0x1  }
0x8a: {  	s1 =	srdreg.scid  }
0x8b: {  	s0 =	sand.u32 $0x1, s1  }
0x8c: {  	s16 =	sshll.u32 s0, $0xA;
	s2 =	sadd.s32 s3, s2  }
0x8d: {  	s2 =	sadd.s32 s2, s16  }
0x8e: {  	[smem:$0x3FC2] =	sst s2  }
0x8f: {  	_ = 	snop  }
0x90: {  	(tm) =	ssettm $0x1  }
0x91: {  	s17 =	sld [smem:$0x3FFB];
	_ =	sdelay $0x3  }
0x92: {  	_ =	strace s17  }
0x93: {  	s2 =	sld [smem:$0x3FFC];
	_ =	sdelay $0x3  }
0x94: {  	_ =	strace s2  }
0x95: {  	s2 =	sld [smem:$0x3FFD];
	_ =	sdelay $0x3  }
0x96: {  	_ =	strace s2  }
0x97: {  	_ =	strace $0x8FFFFFFF  }
0x98: {  	s18 =	sld [smem:$0x3FDB];
	_ =	sdelay $0x1  }
0x99: {  	s19 =	simm.s32 $_scs_section_size  }
0x9a: {  	s4 =	simm.s32 $_size__tile_overlayer_lowered;
	s5 =	simm.s32 $_tile_overlayer_lowered  }
0x9b: {  	s22 =	simm.s32 $0x1BFF;
	s21 =	sshll.u32 s5, $0x1;
	s2 =	sadd.s32 s19, s18  }
0x9c: {  	s6 =	simm.s32 $0x0;
	s20 =	sshll.u32 s4, $0x1;
	s4 =	sadd.s32 s21, s2  }
0x9d: {  	[timem:s6], [sflag:s22] =	dma.local [hbm:s4], s20  }
0x9e: {  	_ =	swait.ge [sflag:s22], s20  }
0x9f: {  	s3 =	ssub.s32 $0x0, s20;
	[sflag:s22] =	ssyncset.done $0x0  }
0xa0: {  	[sflag:s22] =	ssyncadd.s32 s3;
	_ =	sdelay $0x1  }
0xa1: {  	s23 =	simm.s32 $0x1B8B  }
0xa2: {  	_ =	swait.ge [sflag:s23], $0x1  }
0xa3: {  	[sflag:s23] =	ssyncset.done $0x0  }
0xa4: {  	s25 =	simm.s32 $0x1B8E;
	s24 =	sld [smem:$0x3FFE];
	[sflag:s23] =	ssyncadd.s32 $0xFFFFFFFF  }
0xa5: {  	s26 =	simm.s32 $execute0_lowered;
	[smem:$0x3FD2] =	sst s25  }
0xa6: {  	s4 =	sshll.u32 s26, $0x1;
	_ =	strace $0x80000049;
	[dreg:$0x1] =	wrdreg $0xFFFFFFFF  }
0xa7: {  	s28 =	simm.s32 $_size_execute0_lowered;
	s2 =	sadd.s32 s2, s4;
	[dreg:$0x0] =	wrdreg $0x0  }
0xa8: {  	s4 =	sshll.u32 s28, $0x1;
	[dreg:$0x2] =	wrdreg s2  }
0xa9: {  	[dreg:$0x3] =	wrdreg s4  }
0xaa: {  	[dreg:$0x4] =	wrdreg $0xC0  }
0xab: {  	_ =	task [dreg:s6], $0x5FFFF  }
0xac: {  	[dreg:$0x1] =	wrdreg $0xFFFFFFFF  }
0xad: {  	[dreg:$0x0] =	wrdreg $0x60  }
0xae: {  	[dreg:$0x2] =	wrdreg s24  }
0xaf: {  	[dreg:$0x3] =	wrdreg $0x70000  }
0xb0: {  	[dreg:$0x4] =	wrdreg $0x9  }
0xb1: {  	_ =	task.clear_ibuf [dreg:s6], $0x5FFFF;
	_ =	strace $0x90000049  }
0xb2: {  	s29 =	simm.s32 $0x9;
	_ =	strace $0x8000004B  }
0xb3: {  	_ =	swait.ge [sflag:s29], $0x1  }
0xb4: {  	[sflag:s29] =	ssyncadd.s32 $0xFFFFFFFF  }
0xb5: {  	_ =	strace $0x9000004B  }
0xb6: {  	_ =	sfence  }
0xb7: {  	s30 =	sld [smem:$0x0];
	_ =	sdelay $0x2  }
0xb8: {  	s31 =	sshll.u32 s1, $0xD;
	s1 =	sshrl.u32 s1, $0x2  }
0xb9: {  	s3 =	sand.u32 $0x4000, s31;
	s1 =	sadd.s32 s1, s30  }
0xba: {  	s0 =	sor.u32 s3, s0;
	s1 =	sshll.u32 s1, $0x11  }
0xbb: {  	s0 =	sor.u32 s1, s0  }
0xbc: {  	s0 =	sadd.s32 $0x8F2B, s0  }
0xbd: {  	[sflag:s0] =	ssyncadd.remote.s32 $0x1  }
0xbe: {  	_ =	sfence.sel $0xFFFF  }
0xbf: {  	[dreg:$0x0] =	wrdreg $0xFFFFFFFF;
	(pc) =	sbr.abs _section_cstart, $3  }
0xc0: {  	[dreg:$0x1] =	wrdreg $0xFFFFFFFF  }
0xc1: {  	_ =	task.clear_ibuf [dreg:s6], $0x2FFFF;
	_ =	strace $0x9FFFFFFF  }
0xc2: {  	(tm) =	ssettm $0x7FFFFFFF  }
0xc3: {  	_ =	shalt  }
tec
execute0_lowered:
.L_overlay_start_1:
0x0: {  	(tag) =	ssettag $0x1  }
0x1: {  	s0 =	rddreg [dreg:$0x0]  }
0x2: {  	s1 =	rddreg [dreg:$0x1]  }
0x3: {  	s2 =	simm.s32 $0x0;
	s3 =	srdreg.scid;
	s19 =	stileid.u32  }
0x4: {  	s18 =	simm.s32 $0x5;
	s20 =	simm.s32 $0x1000;
	s28 =	simm.s32 $0x3  }
0x5: {  	s29 =	simm.s32 $0x4;
	s30 =	simm.s32 $0x1B00;
	s31 =	simm.s32 $0x1B80  }
0x6: {  	[smem:$0x7FF] =	sst s2;
	s4 =	sadd.s32 $0x3A000, s0;
	s14 =	sadd.s32 $0x61200, s0  }
0x7: {  	s6 =	sadd.s32 $0x26000, s0;
	s3 =	sand.u32 $0x1, s3;
	s8 =	smul.u32 $0x4E000, s19  }
0x8: {  	s7 =	sadd.s32 $0x12000, s0;
	s0 =	sadd.s32 $0x88400, s0;
	s10 =	smul.u32 $0x2700, s19  }
0x9: {  	s13 =	smul.u32 $0x13800, s19;
	s23 =	sadd.s32 $0x138000, s1;
	p1 =	seq.s32 s19, $0xF  }
0xa: {  	s15 =	sshll.u32 s19, $0x6;
	p2 =	sne.s32 s19, $0xF;
	_ =	strace $0x8000004A  }
0xb: {  	s5 =	ssub.s32 $0x2, s3;
	s21 =	sshll.u32 s3, $0x4;
	s11 =	smul.u32 $0x138800, s3  }
0xc: {  	[dreg:$0x3] =	wrdreg s14;
	p0 =	sne.s32 s3, $0x0;
	s16 =	sor.u32 $0x1C05, s15  }
0xd: {  	s26 =	sshrl.u32 s23, $0x3;
	s3 =	simm.s32 $0x1C00;
	s9 =	sshrl.u32 s5, $0x1  }
0xe: {  	s12 =	sor.u32 s19, s21;
	s8 =	sshrl.u32 s8, $0x2;
	s22 =	sadd.s32 s14, s10  }
0xf: {  	s10 =	sadd.s32 s4, s10;
	[dreg:$0x7] =	wrdreg s26;
	s21 =	simm.s32 $0x50  }
0x10: {  	s26 =	simm.s32 $0x2;
	s5 =	ssub.s32 s5, s9;
	[dreg:$0x4] =	wrdreg s22  }
0x11: {  	s8 =	sadd.s32 s8, s1;
	[dreg:$0x5] =	wrdreg s10;
	s24 =	sadd.s32 s13, s11  }
0x12: {  	s25 =	sshrl.u32 s11, $0x3;
	s11 =	smul.u32 $0x5000, s12;
	s12 =	smov.u32 s23  }
0x13: {  	s22 =	simm.s32 $0x2000;
	s23 =	simm.s32 $0x80;
	s10 =	sshrl.u32 s24, $0x3  }
0x14: {  	s13 =	sadd.s32 s0, s25;
	s14 =	smax.u32 s5, $0x1;
	s17 =	sshrl.u32 s8, $0x3  }
0x15: {  	s24 =	simm.s32 $0x4800;
	s25 =	simm.s32 $0x1;
	s0 =	sadd.s32 s0, s10  }
0x16: {  	s13 =	sadd.s32 $0x27000, s13;
	[dreg:$0x6] =	wrdreg s0;
	s0 =	simm.s32 $0xC00  }
.LBB2_1:
.Ltmp0:
0x17: {  	(pc) =	sbr.rel @p0 .LBB2_3-.Ltmp0, $1  }
0x18: {  	_ =	sdelay $0x3  }
0x19: {  	s5 =	rddreg [dreg:$0x5]  }
0x1a: {  	[spmem:s17], [sflag:s16] =	dma.local [hbm:s5], $0x2700  }
.Ltmp1:
0x1b: {  	_ = 	snop;
	(pc) =	sbr.rel @p1 .LBB2_4-.Ltmp1, $4  }
.Ltmp2:
0x1c: {  	_ = 	snop;
	(pc) =	sbr.rel @!p1 .LBB2_5-.Ltmp2, $4  }
0x1d: {  	_ =	swait.ge [sflag:s18], $0x2700  }
0x1e: {  	[sflag:s18] =	ssyncset.done $0x0  }
0x1f: {  	s8 =	smov.u32 s4;
	s5 =	smov.u32 s16;
	[sflag:s18] =	ssyncadd.s32 $0xFFFFD900  }
0x20: {  	_ = 	snop  }
.LBB2_3:
.Ltmp3:
0x21: {  	s5 =	sor.u32 $0x1C05, s15;
	s8 =	rddreg [dreg:$0x4];
	(pc) =	sbr.rel @p2 .LBB2_5-.Ltmp3, $4  }
0x22: {  	[spmem:s17], [sflag:s5] =	dma.local [hbm:s8], $0x2700  }
0x23: {  	_ =	swait.ge [sflag:s18], $0x2700  }
0x24: {  	[sflag:s18] =	ssyncset.done $0x0  }
0x25: {  	s8 =	rddreg [dreg:$0x3];
	[sflag:s18] =	ssyncadd.s32 $0xFFFFD900  }
.LBB2_4:
0x26: {  	s8 =	sadd.s32 $0x27000, s8;
	s9 =	rddreg [dreg:$0x7]  }
0x27: {  	[spmem:s9], [sflag:s5] =	dma.local [hbm:s8], $0x100  }
0x28: {  	_ =	swait.ge [sflag:s18], $0x100  }
0x29: {  	[sflag:s18] =	ssyncset.done $0x0  }
0x2a: {  	[sflag:s18] =	ssyncadd.s32 $0xFFFFFF00  }
.LBB2_5:
0x2b: {  	[bflag:$0x0] =	sbarrier.arrive $0xFFFF;
	s5 =	simm.s32 $0x0;
	s8 =	simm.s32 $0x0  }
.LBB2_6:
0x2c: {  	s10 =	sshll.u32 s8, $0xC  }
0x2d: {  	s10 =	sadd.s32 s11, s10  }
0x2e: {  	s10 =	sshrl.u32 s10, $0x3  }
0x2f: {  	s19 =	sadd.s32 s6, s10  }
0x30: {  	[tilespmem:s5], [sflag:$0x5] =	stream.linear.gather [hbm4b:s19+s5], $0xC80, $0x38;
	[tilespmem:$0x1A880] =	vst v63  }
0x31: {  	_ =	swait.ge [sflag:s18], $0xC80  }
0x32: {  	[sflag:s18] =	ssyncset.done $0x0  }
0x33: {  	s10 =	sadd.s32 s7, s10;
	[sflag:s18] =	ssyncadd.s32 $0xFFFFF380  }
0x34: {  	[tilespmem:s20], [sflag:$0x5] =	stream.linear.gather [hbm4b:s10+s5], $0xC80, $0x38;
	[tilespmem:$0x1A880] =	vst v63  }
0x35: {  	_ =	swait.ge [sflag:s18], $0xC80  }
0x36: {  	[sflag:s18] =	ssyncset.done $0x0  }
0x37: {  	[sflag:s18] =	ssyncadd.s32 $0xFFFFF380  }
0x38: {  	[tilespmem:s22], [sflag:$0x1] =	stream.indirect.gather [hbm4b:s4+s21], $0x80, s5, s21, $0xb8;
	[tilespmem:$0x1A880] =	vst v63  }
0x39: {  	_ = 	snop  }
0x3a: {  	[tilespmem:s24], [sflag:$0x2] =	stream.indirect.gather [hbm4b:s4+s21], $0x80, s23, s21, $0xb8;
	[tilespmem:$0x1A880] =	vst v63  }
0x3b: {  	_ =	swait.ge [sflag:s25], $0x2800  }
0x3c: {  	[sflag:s25] =	ssyncset.done $0x0  }
0x3d: {  	s19 =	simm.s32 $0x1000;
	[sflag:s25] =	ssyncadd.s32 $0xFFFFD800  }
0x3e: {  	[spmem:s1] =	stream.indirect.scatter.add.f32 [tilespmem:s22], [sflag:$0x3], $0x80, s19, s21, $0xb8;
	[tilespmem:$0x1A880] =	vst v63  }
0x3f: {  	_ =	swait.ge [sflag:s26], $0x2800  }
0x40: {  	[sflag:s26] =	ssyncset.done $0x0  }
0x41: {  	s9 =	simm.s32 $0x1080;
	[sflag:s26] =	ssyncadd.s32 $0xFFFFD800  }
0x42: {  	[spmem:s1] =	stream.indirect.scatter.add.f32 [tilespmem:s24], [sflag:$0x4], $0x80, s9, s21, $0xb8;
	[tilespmem:$0x1A880] =	vst v63  }
0x43: {  	_ =	swait.ge [sflag:s28], $0x2800  }
0x44: {  	[sflag:s28] =	ssyncset.done $0x0  }
0x45: {  	s19 =	simm.s32 $0x100;
	[sflag:s28] =	ssyncadd.s32 $0xFFFFD800  }
0x46: {  	[tilespmem:s22], [sflag:$0x1] =	stream.indirect.gather [hbm4b:s4+s21], $0x80, s19, s21, $0xb8;
	[tilespmem:$0x1A880] =	vst v63  }
0x47: {  	_ =	swait.ge [sflag:s29], $0x2800  }
0x48: {  	[sflag:s29] =	ssyncset.done $0x0  }
0x49: {  	s10 =	simm.s32 $0x400;
	s19 =	simm.s32 $0x180;
	[sflag:s29] =	ssyncadd.s32 $0xFFFFD800  }
.LBB2_7:
0x4a: {  	[tilespmem:s24], [sflag:$0x2] =	stream.indirect.gather [hbm4b:s4+s21], $0x80, s19, s21, $0xb8;
	[tilespmem:$0x1A880] =	vst v63  }
0x4b: {  	s19 =	smov.u32 s10  }
0x4c: {  	p3 =	sne.s32 s10, $0x2800;
	s10 =	sadd.s32 $0x400, s10;
	_ =	swait.ge [sflag:s25], $0x2800  }
0x4d: {  	s19 =	sshra.s32 s19, $0x2;
	[sflag:s25] =	ssyncset.done $0x0  }
0x4e: {  	s9 =	sadd.s32 $0x1000, s19;
	[sflag:s25] =	ssyncadd.s32 $0xFFFFD800  }
0x4f: {  	[spmem:s1] =	stream.indirect.scatter.add.f32 [tilespmem:s22], [sflag:$0x3], $0x80, s9, s21, $0xb8;
	[tilespmem:$0x1A880] =	vst v63  }
0x50: {  	_ =	swait.ge [sflag:s26], $0x2800  }
0x51: {  	[sflag:s26] =	ssyncset.done $0x0  }
0x52: {  	s9 =	sadd.s32 $0x1080, s19;
	[sflag:s26] =	ssyncadd.s32 $0xFFFFD800  }
0x53: {  	[spmem:s1] =	stream.indirect.scatter.add.f32 [tilespmem:s24], [sflag:$0x4], $0x80, s9, s21, $0xb8;
	[tilespmem:$0x1A880] =	vst v63  }
0x54: {  	_ =	swait.ge [sflag:s28], $0x2800  }
0x55: {  	[sflag:s28] =	ssyncset.done $0x0  }
.Ltmp4:
0x56: {  	s9 =	sadd.s32 $0x100, s19;
	[sflag:s28] =	ssyncadd.s32 $0xFFFFD800;
	(pc) =	sbr.rel @p3 .LBB2_7-.Ltmp4, $4  }
0x57: {  	[tilespmem:s22], [sflag:$0x1] =	stream.indirect.gather [hbm4b:s4+s21], $0x80, s9, s21, $0xb8;
	[tilespmem:$0x1A880] =	vst v63  }
0x58: {  	_ =	swait.ge [sflag:s29], $0x2800  }
0x59: {  	[sflag:s29] =	ssyncset.done $0x0  }
0x5a: {  	s19 =	sadd.s32 $0x180, s19;
	[sflag:s29] =	ssyncadd.s32 $0xFFFFD800  }
0x5b: {  	[tilespmem:s24], [sflag:$0x2] =	stream.indirect.gather [hbm4b:s4+s21], $0x80, s19, s21, $0xb8;
	[tilespmem:$0x1A880] =	vst v63  }
0x5c: {  	_ =	swait.ge [sflag:s25], $0x2800  }
0x5d: {  	[sflag:s25] =	ssyncset.done $0x0  }
0x5e: {  	[sflag:s25] =	ssyncadd.s32 $0xFFFFD800  }
0x5f: {  	[spmem:s1] =	stream.indirect.scatter.add.f32 [tilespmem:s22], [sflag:$0x3], $0x80, s30, s21, $0xb8;
	[tilespmem:$0x1A880] =	vst v63  }
0x60: {  	_ =	swait.ge [sflag:s26], $0x2800  }
0x61: {  	[sflag:s26] =	ssyncset.done $0x0  }
0x62: {  	[sflag:s26] =	ssyncadd.s32 $0xFFFFD800  }
0x63: {  	[spmem:s1] =	stream.indirect.scatter.add.f32 [tilespmem:s24], [sflag:$0x4], $0x80, s31, s21, $0xb8;
	[tilespmem:$0x1A880] =	vst v63  }
0x64: {  	_ =	swait.ge [sflag:s28], $0x2800  }
0x65: {  	[sflag:s28] =	ssyncset.done $0x0  }
0x66: {  	[sflag:s28] =	ssyncadd.s32 $0xFFFFD800  }
0x67: {  	[tilespmem:s22], [sflag:$0x1] =	stream.indirect.gather [hbm4b:s4+s21], $0x80, s0, s21, $0xb8;
	[tilespmem:$0x1A880] =	vst v63  }
0x68: {  	_ =	swait.ge [sflag:s25], $0x2800  }
0x69: {  	[sflag:s25] =	ssyncset.done $0x0  }
0x6a: {  	s8 =	sadd.s32 $0x1, s8;
	[sflag:s25] =	ssyncadd.s32 $0xFFFFD800  }
0x6b: {  	[spmem:s1] =	stream.indirect.scatter.add.f32 [tilespmem:s22], [sflag:$0x3], $0x80, s3, s21, $0xb8;
	[tilespmem:$0x1A880] =	vst v63  }
0x6c: {  	p3 =	sne.s32 s8, $0x5;
	_ =	swait.ge [sflag:s29], $0x2800  }
.Ltmp5:
0x6d: {  	[sflag:s29] =	ssyncset.done $0x0;
	(pc) =	sbr.rel @p3 .LBB2_6-.Ltmp5, $4  }
0x6e: {  	[sflag:s29] =	ssyncadd.s32 $0xFFFFD800  }
0x6f: {  	_ =	swait.ge [sflag:s28], $0x2800  }
0x70: {  	[sflag:s28] =	ssyncset.done $0x0  }
0x71: {  	[sflag:s28] =	ssyncadd.s32 $0xFFFFD800  }
0x72: {  	[bflag:$0x0] =	sbarrier.arrive $0xFFFF  }
0x73: {  	s5 =	sor.u32 $0x1C05, s15;
	s8 =	rddreg [dreg:$0x6]  }
0x74: {  	[hbm:s8], [sflag:s5] =	dma.local [spmem:s17], $0x2700  }
0x75: {  	_ =	swait.ge [sflag:s18], $0x2700  }
0x76: {  	s2 =	sadd.s32 $0x1, s2;
	[sflag:s18] =	ssyncset.done $0x0  }
0x77: {  	p3 =	sne.s32 s2, s14;
	s8 =	sshrl.u32 @!p2 s12, $0x3;
	[sflag:s18] =	ssyncadd.s32 $0xFFFFD900  }
0x78: {  	[hbm:s13], [sflag:s5] =	dma.local @!p2 [spmem:s8], $0x100  }
.Ltmp6:
0x79: {  	_ = 	snop;
	(pc) =	sbr.rel @p3 .LBB2_1-.Ltmp6, $4  }
0x7a: {  	s5 =	simm.s32 @!p2 $0x5  }
0x7b: {  	_ =	swait.ge @!p2 [sflag:s5], $0x100  }
0x7c: {  	[sflag:s5] =	ssyncset.done @!p2 $0x0  }
0x7d: {  	[sflag:s5] =	ssyncadd.s32 @!p2 $0xFFFFFF00  }
0x7e: {  	_ =	sfence.sel $0x180000  }
0x7f: {  	[bflag:$0x0] =	sbarrier.arrive $0xFFFF  }
0x80: {  	_ =	strace $0x9000004A  }
0x81: {  	s0 =	stileid.u32;
	[bflag:$0x2] =	sbarrier.arrive $0xFFFF  }
0x82: {  	p0 =	sne.s32 s0, $0x0;
	s0 =	rddreg [dreg:$0x2]  }
0x83: {  	s0 =	sadd.s32 @!p0 $0x100000, s0  }
0x84: {  	[sflag:s0] =	ssyncadd.tile.s32 @!p0 $0x1;
	_ =	shalt  }
.Lfunc_end2:
_tile_overlayer_lowered:
.L_overlay_start_2:
0x85: {  	(tag) =	ssettag $0x2  }
0x86: {  	s0 =	rddreg [dreg:$0x0];
	s2 =	stileid.u32  }
0x87: {  	s1 =	rddreg [dreg:$0x1];
	p0 =	sne.s32 s2, $0x0  }
0x88: {  	s3 =	rddreg [dreg:$0x2];
	[bflag:$0x3] =	sbarrier.arrive $0xFFFF;
	s2 =	simm.s32 @!p0 $0x1C05  }
0x89: {  	[timem:s3], [sflag:s2] =	dma.local @!p0 [hbm:s0], s1  }
0x8a: {  	s0 =	simm.s32 @!p0 $0x5  }
0x8b: {  	_ =	swait.ge @!p0 [sflag:s0], s1  }
0x8c: {  	s1 =	ssub.s32 @!p0 $0x0, s1;
	[sflag:s0] =	ssyncset.done @!p0 $0x0  }
0x8d: {  	[sflag:s0] =	ssyncadd.s32 @!p0 s1  }
0x8e: {  	[bflag:$0x3] =	sbarrier.arrive $0xFFFF  }
0x8f: {  	_ =	shalt  }

</sc_bundles>
